<compile_context>
chip_gen: v7x
topology: tpu7x:2x2x1
jax: 0.10.2.dev20260603
libtpu: 0.0.44.dev20260713+nightly
codegen_flags: <defaults>
</compile_context>

<pallas_src>
import functools
import math

import jax
import jax.numpy as jnp
from jax import lax
from jax.experimental import pallas as pl
from jax.experimental.pallas import tpu as pltpu
from jax.experimental.pallas import tpu_sc as plsc

_D = 128
_SCALE = math.sqrt(_D)

_NC = 2
_NS = 16
_NW = _NC * _NS

_CHUNK = 200
_NBUF = 4
_L = 16


def _make_gather(n_rows):
    b_per_w = n_rows // _NW
    n_chunks = b_per_w // _CHUNK
    assert n_rows % (_NW * _CHUNK) == 0 and n_chunks % _NBUF == 0, n_rows
    mesh = plsc.VectorSubcoreMesh(core_axis_name="c", subcore_axis_name="s")

    @functools.partial(
        pl.kernel,
        out_type=jax.ShapeDtypeStruct((n_rows, _D), jnp.float32),
        mesh=mesh,
        scratch_types=[
            pltpu.VMEM((b_per_w,), jnp.int32),
            pltpu.VMEM((_NBUF, _CHUNK, _D), jnp.float32),
            [pltpu.SemaphoreType.DMA] * _NBUF,
            [pltpu.SemaphoreType.DMA] * _NBUF,
        ],
    )
    def gather(table_hbm, idx_hbm, out_hbm, idx_v, rows_v, gsems, wsems):
        wid = lax.axis_index("s") * _NC + lax.axis_index("c")
        base = wid * b_per_w

        pltpu.sync_copy(idx_hbm.at[wid], idx_v)

        def fire(chunk, slot):
            idx = idx_v.at[pl.ds(chunk * _CHUNK, _CHUNK)]
            pltpu.async_copy(table_hbm.at[idx], rows_v.at[slot], gsems[slot])

        def wb_copy(chunk, slot):
            off = base + chunk * _CHUNK
            return pltpu.make_async_copy(
                rows_v.at[slot], out_hbm.at[pl.ds(off, _CHUNK)], wsems[slot])

        def drain(chunk, slot):
            idx = idx_v.at[pl.ds(chunk * _CHUNK, _CHUNK)]
            pltpu.make_async_copy(table_hbm.at[idx], rows_v.at[slot],
                                  gsems[slot]).wait()

            def scale_row(r, _):
                for j in range(_D // _L):
                    sl = pl.ds(j * _L, _L)
                    rows_v[slot, r, sl] = rows_v[slot, r, sl] * _SCALE
                return ()

            lax.fori_loop(0, _CHUNK, scale_row, (), unroll=2)
            wb_copy(chunk, slot).start()

        for b in range(_NBUF - 1):
            fire(b, b)

        def body(g, _):
            i = g * _NBUF
            for b in range(_NBUF):
                nxt = i + b + _NBUF - 1
                slot_n = (b + _NBUF - 1) % _NBUF

                @pl.when(nxt < n_chunks)
                def _():
                    @pl.when(nxt >= _NBUF)
                    def _():
                        wb_copy(nxt - _NBUF, slot_n).wait()

                    fire(nxt, slot_n)

                drain(i + b, b)
            return ()

        lax.fori_loop(0, n_chunks // _NBUF, body, ())

        for b in range(_NBUF):
            wb_copy(n_chunks - _NBUF + b, b).wait()

    return gather


_gather = _make_gather(4096 * 200)


def kernel(x, lut):
    b, s = x.shape
    n = b * s
    idx = x.reshape(_NW, n // _NW).astype(jnp.int32)
    out = _gather(lut, idx)
    return out.reshape(b, s, _D)

# --- scband reference (transcript-rebuilt; emitter-appended) ---
"""Pipeline reference for scband-embeddings-910533067594 (READ-ONLY COPY).

The authoritative reference and input builder live on the scoring server;
editing this copy changes nothing except your own understanding.
"""

import jax, jax.numpy as jnp
import numpy as np
import math

D_MODEL = 128
VOCAB = 100000
BATCH = 4096
SEQ = 200

def setup_inputs(seed: int = 0) -> dict:
    key = jax.random.key(seed)
    k1, k2 = jax.random.split(key)
    x = jax.random.randint(k1, (BATCH, SEQ), 0, VOCAB, dtype=jnp.int64 if jax.config.jax_enable_x64 else jnp.int32)
    # nn.Embedding default init: N(0, 1)
    lut = jax.random.normal(k2, (VOCAB, D_MODEL), dtype=jnp.float32)
    return {"x": x, "lut": lut}

def reference(x, lut):
    # Embeddings.forward: lut(x.long()) * sqrt(d_model)
    idx = x.astype(jnp.int32)
    emb = jnp.take(lut, idx, axis=0)
    return emb * math.sqrt(D_MODEL)

if __name__ == "__main__":
    import jax
    _d = setup_inputs()
    print(jax.jit(kernel)(*tuple(_d.values())))

</pallas_src>

<mosaic_0001>
#map = affine_map<(d0, d1) -> (0, 0)>
module attributes {stable_mosaic.version = 14 : i64} {
  func.func @gather(%arg0: i32, %arg1: i32, %arg2: memref<100000x128xf32, #tpu.memory_space<hbm>>, %arg3: memref<32x25600xi32, #tpu.memory_space<hbm>>, %arg4: memref<819200x128xf32, #tpu.memory_space<hbm>>, %arg5: memref<25600xi32, #tpu.memory_space<vmem>>, %arg6: memref<4x200x128xf32, #tpu.memory_space<vmem>>, %arg7: memref<!tpu.dma_semaphore, #tpu.memory_space<semaphore_mem>>, %arg8: memref<!tpu.dma_semaphore, #tpu.memory_space<semaphore_mem>>, %arg9: memref<!tpu.dma_semaphore, #tpu.memory_space<semaphore_mem>>, %arg10: memref<!tpu.dma_semaphore, #tpu.memory_space<semaphore_mem>>, %arg11: memref<!tpu.dma_semaphore, #tpu.memory_space<semaphore_mem>>, %arg12: memref<!tpu.dma_semaphore, #tpu.memory_space<semaphore_mem>>, %arg13: memref<!tpu.dma_semaphore, #tpu.memory_space<semaphore_mem>>, %arg14: memref<!tpu.dma_semaphore, #tpu.memory_space<semaphore_mem>>) attributes {dimension_semantics = [#tpu.dimension_semantics<core_parallel>, #tpu.dimension_semantics<subcore_parallel>], iteration_bounds = array<i64: 2, 16>, scalar_prefetch = 0 : i64, scratch_operands = 10 : i64, tpu.core_type = #tpu.core_type<sc_vector_subcore>, window_params = [{transform_indices = #map}, {transform_indices = #map}, {transform_indices = #map}]} {
    %mul3A = arith.constant 2 : i32
    %mul3A_0 = arith.muli %arg1, %mul3A : i32
    %add3A = arith.addi %mul3A_0, %arg0 : i32
    %mul3A_1 = arith.constant 25600 : i32
    %mul3A_2 = arith.muli %add3A, %mul3A_1 : i32
    "tpu.region"() ({
      %run_scoped3A = tpu.sem_alloc : memref<!tpu.dma_semaphore, #tpu.memory_space<semaphore_mem>>
      %dma_start3A_95 = arith.constant 0 : i32
      %dma_start3A_96 = tpu.memref_slice %arg3[%add3A, %dma_start3A_95] : memref<32x25600xi32, #tpu.memory_space<hbm>> -> memref<1x25600xi32, #tpu.memory_space<hbm>>
      %dma_start3A_97 = tpu.memref_squeeze %dma_start3A_96 : memref<1x25600xi32, #tpu.memory_space<hbm>> -> memref<25600xi32, #tpu.memory_space<hbm>>
      %dma_start3A_98 = arith.constant 0 : i32
      %dma_start3A_99 = tpu.memref_slice %arg3[%add3A, %dma_start3A_98] : memref<32x25600xi32, #tpu.memory_space<hbm>> -> memref<1x25600xi32, #tpu.memory_space<hbm>>
      %dma_start3A_100 = tpu.memref_squeeze %dma_start3A_99 : memref<1x25600xi32, #tpu.memory_space<hbm>> -> memref<25600xi32, #tpu.memory_space<hbm>>
      tpu.enqueue_dma source(%dma_start3A_100 : memref<25600xi32, #tpu.memory_space<hbm>>) target(%arg5 : memref<25600xi32, #tpu.memory_space<vmem>>) target_semaphore(%run_scoped3A : memref<!tpu.dma_semaphore, #tpu.memory_space<semaphore_mem>>)
      %dma_wait3A_101 = arith.constant 0 : i32
      %dma_wait3A_102 = tpu.memref_slice %arg3[%add3A, %dma_wait3A_101] : memref<32x25600xi32, #tpu.memory_space<hbm>> -> memref<1x25600xi32, #tpu.memory_space<hbm>>
      %dma_wait3A_103 = tpu.memref_squeeze %dma_wait3A_102 : memref<1x25600xi32, #tpu.memory_space<hbm>> -> memref<25600xi32, #tpu.memory_space<hbm>>
      %dma_wait3A_104 = arith.constant 0 : i32
      %dma_wait3A_105 = tpu.memref_slice %arg3[%add3A, %dma_wait3A_104] : memref<32x25600xi32, #tpu.memory_space<hbm>> -> memref<1x25600xi32, #tpu.memory_space<hbm>>
      %dma_wait3A_106 = tpu.memref_squeeze %dma_wait3A_105 : memref<1x25600xi32, #tpu.memory_space<hbm>> -> memref<25600xi32, #tpu.memory_space<hbm>>
      tpu.wait_dma2 semaphore(%run_scoped3A : memref<!tpu.dma_semaphore, #tpu.memory_space<semaphore_mem>>) src(%dma_wait3A_106 : memref<25600xi32, #tpu.memory_space<hbm>>) dst(%arg5 : memref<25600xi32, #tpu.memory_space<vmem>>)
      tpu.yield
    }) : () -> ()
    %dma_start3A = arith.constant 0 : i32
    %dma_start3A_3 = arith.constant 0 : i32
    %dma_start3A_4 = arith.constant 0 : i32
    %dma_start3A_5 = tpu.memref_slice %arg6[%dma_start3A, %dma_start3A_3, %dma_start3A_4] : memref<4x200x128xf32, #tpu.memory_space<vmem>> -> memref<1x200x128xf32, #tpu.memory_space<vmem>>
    %dma_start3A_6 = tpu.memref_squeeze %dma_start3A_5 : memref<1x200x128xf32, #tpu.memory_space<vmem>> -> memref<200x128xf32, #tpu.memory_space<vmem>>
    %dma_start3A_7 = arith.constant 0 : i32
    %dma_start3A_8 = tpu.memref_slice %arg5[%dma_start3A_7] : memref<25600xi32, #tpu.memory_space<vmem>> -> memref<200xi32, #tpu.memory_space<vmem>>
    %dma_start3A_9 = arith.constant 0 : i32
    %dma_start3A_10 = arith.constant 0 : i32
    %dma_start3A_11 = tpu.memref_slice %arg2[%dma_start3A_9, %dma_start3A_10] : memref<100000x128xf32, #tpu.memory_space<hbm>> -> memref<100000x128xf32, #tpu.memory_space<hbm>>
    tpu.enqueue_indirect_dma source(%dma_start3A_11 : memref<100000x128xf32, #tpu.memory_space<hbm>>) target(%dma_start3A_6 : memref<200x128xf32, #tpu.memory_space<vmem>>) offsets(%dma_start3A_8 : memref<200xi32, #tpu.memory_space<vmem>>) semaphore(%arg7 : memref<!tpu.dma_semaphore, #tpu.memory_space<semaphore_mem>>)
    %dma_start3A_12 = arith.constant 1 : i32
    %dma_start3A_13 = arith.constant 0 : i32
    %dma_start3A_14 = arith.constant 0 : i32
    %dma_start3A_15 = tpu.memref_slice %arg6[%dma_start3A_12, %dma_start3A_13, %dma_start3A_14] : memref<4x200x128xf32, #tpu.memory_space<vmem>> -> memref<1x200x128xf32, #tpu.memory_space<vmem>>
    %dma_start3A_16 = tpu.memref_squeeze %dma_start3A_15 : memref<1x200x128xf32, #tpu.memory_space<vmem>> -> memref<200x128xf32, #tpu.memory_space<vmem>>
    %dma_start3A_17 = arith.constant 200 : i32
    %dma_start3A_18 = tpu.memref_slice %arg5[%dma_start3A_17] : memref<25600xi32, #tpu.memory_space<vmem>> -> memref<200xi32, #tpu.memory_space<vmem>>
    %dma_start3A_19 = arith.constant 0 : i32
    %dma_start3A_20 = arith.constant 0 : i32
    %dma_start3A_21 = tpu.memref_slice %arg2[%dma_start3A_19, %dma_start3A_20] : memref<100000x128xf32, #tpu.memory_space<hbm>> -> memref<100000x128xf32, #tpu.memory_space<hbm>>
    tpu.enqueue_indirect_dma source(%dma_start3A_21 : memref<100000x128xf32, #tpu.memory_space<hbm>>) target(%dma_start3A_16 : memref<200x128xf32, #tpu.memory_space<vmem>>) offsets(%dma_start3A_18 : memref<200xi32, #tpu.memory_space<vmem>>) semaphore(%arg8 : memref<!tpu.dma_semaphore, #tpu.memory_space<semaphore_mem>>)
    %dma_start3A_22 = arith.constant 2 : i32
    %dma_start3A_23 = arith.constant 0 : i32
    %dma_start3A_24 = arith.constant 0 : i32
    %dma_start3A_25 = tpu.memref_slice %arg6[%dma_start3A_22, %dma_start3A_23, %dma_start3A_24] : memref<4x200x128xf32, #tpu.memory_space<vmem>> -> memref<1x200x128xf32, #tpu.memory_space<vmem>>
    %dma_start3A_26 = tpu.memref_squeeze %dma_start3A_25 : memref<1x200x128xf32, #tpu.memory_space<vmem>> -> memref<200x128xf32, #tpu.memory_space<vmem>>
    %dma_start3A_27 = arith.constant 400 : i32
    %dma_start3A_28 = tpu.memref_slice %arg5[%dma_start3A_27] : memref<25600xi32, #tpu.memory_space<vmem>> -> memref<200xi32, #tpu.memory_space<vmem>>
    %dma_start3A_29 = arith.constant 0 : i32
    %dma_start3A_30 = arith.constant 0 : i32
    %dma_start3A_31 = tpu.memref_slice %arg2[%dma_start3A_29, %dma_start3A_30] : memref<100000x128xf32, #tpu.memory_space<hbm>> -> memref<100000x128xf32, #tpu.memory_space<hbm>>
    tpu.enqueue_indirect_dma source(%dma_start3A_31 : memref<100000x128xf32, #tpu.memory_space<hbm>>) target(%dma_start3A_26 : memref<200x128xf32, #tpu.memory_space<vmem>>) offsets(%dma_start3A_28 : memref<200xi32, #tpu.memory_space<vmem>>) semaphore(%arg9 : memref<!tpu.dma_semaphore, #tpu.memory_space<semaphore_mem>>)
    %scan3A = arith.constant 0 : i32
    %scan3A_32 = arith.constant 32 : i32
    %scan3A_33 = arith.addi %scan3A, %scan3A_32 : i32
    %scan3A_34 = arith.constant 1 : i32
    scf.for %scan3A_95 = %scan3A to %scan3A_33 step %scan3A_34  : i32 {
      %mul3A_96 = arith.constant 4 : i32
      %mul3A_97 = arith.muli %scan3A_95, %mul3A_96 : i32
      %add3A_98 = arith.constant 0 : i32
      %add3A_99 = arith.addi %mul3A_97, %add3A_98 : i32
      %add3A_100 = arith.constant 4 : i32
      %add3A_101 = arith.addi %add3A_99, %add3A_100 : i32
      %sub3A = arith.constant 1 : i32
      %sub3A_102 = arith.subi %add3A_101, %sub3A : i32
      %lt3A = arith.constant 128 : i32
      %lt3A_103 = arith.cmpi slt, %sub3A_102, %lt3A : i32
      %convert_element_type3A = arith.extui %lt3A_103 : i1 to i32
      %cond3A = arith.constant 0 : i32
      %cond3A_104 = arith.cmpi ne, %convert_element_type3A, %cond3A : i32
      scf.if %cond3A_104 {
        %ge3A = arith.constant 4 : i32
        %ge3A_274 = arith.cmpi sge, %sub3A_102, %ge3A : i32
        %convert_element_type3A_275 = arith.extui %ge3A_274 : i1 to i32
        %cond3A_276 = arith.constant 0 : i32
        %cond3A_277 = arith.cmpi ne, %convert_element_type3A_275, %cond3A_276 : i32
        scf.if %cond3A_277 {
          %sub3A_289 = arith.constant 4 : i32
          %sub3A_290 = arith.subi %sub3A_102, %sub3A_289 : i32
          %mul3A_291 = arith.constant 200 : i32
          %mul3A_292 = arith.muli %sub3A_290, %mul3A_291 : i32
          %add3A_293 = arith.addi %mul3A_2, %mul3A_292 : i32
          %dma_wait3A_294 = arith.constant 3 : i32
          %dma_wait3A_295 = arith.constant 0 : i32
          %dma_wait3A_296 = arith.constant 0 : i32
          %dma_wait3A_297 = tpu.memref_slice %arg6[%dma_wait3A_294, %dma_wait3A_295, %dma_wait3A_296] : memref<4x200x128xf32, #tpu.memory_space<vmem>> -> memref<1x200x128xf32, #tpu.memory_space<vmem>>
          %dma_wait3A_298 = tpu.memref_squeeze %dma_wait3A_297 : memref<1x200x128xf32, #tpu.memory_space<vmem>> -> memref<200x128xf32, #tpu.memory_space<vmem>>
          %dma_wait3A_299 = arith.constant 0 : i32
          %dma_wait3A_300 = tpu.memref_slice %arg4[%add3A_293, %dma_wait3A_299] : memref<819200x128xf32, #tpu.memory_space<hbm>> -> memref<200x128xf32, #tpu.memory_space<hbm>>
          %dma_wait3A_301 = arith.constant 0 : i32
          %dma_wait3A_302 = tpu.memref_slice %arg4[%add3A_293, %dma_wait3A_301] : memref<819200x128xf32, #tpu.memory_space<hbm>> -> memref<200x128xf32, #tpu.memory_space<hbm>>
          %dma_wait3A_303 = arith.constant 0 : i32
          %dma_wait3A_304 = arith.constant 0 : i32
          %dma_wait3A_305 = tpu.memref_slice %arg6[%dma_wait3A_294, %dma_wait3A_303, %dma_wait3A_304] : memref<4x200x128xf32, #tpu.memory_space<vmem>> -> memref<1x200x128xf32, #tpu.memory_space<vmem>>
          %dma_wait3A_306 = tpu.memref_squeeze %dma_wait3A_305 : memref<1x200x128xf32, #tpu.memory_space<vmem>> -> memref<200x128xf32, #tpu.memory_space<vmem>>
          tpu.wait_dma2 semaphore(%arg14 : memref<!tpu.dma_semaphore, #tpu.memory_space<semaphore_mem>>) src(%dma_wait3A_306 : memref<200x128xf32, #tpu.memory_space<vmem>>) dst(%dma_wait3A_302 : memref<200x128xf32, #tpu.memory_space<hbm>>)
        } else {
        }
        %mul3A_278 = arith.constant 200 : i32
        %mul3A_279 = arith.muli %sub3A_102, %mul3A_278 : i32
        %dma_start3A_280 = arith.constant 3 : i32
        %dma_start3A_281 = arith.constant 0 : i32
        %dma_start3A_282 = arith.constant 0 : i32
        %dma_start3A_283 = tpu.memref_slice %arg6[%dma_start3A_280, %dma_start3A_281, %dma_start3A_282] : memref<4x200x128xf32, #tpu.memory_space<vmem>> -> memref<1x200x128xf32, #tpu.memory_space<vmem>>
        %dma_start3A_284 = tpu.memref_squeeze %dma_start3A_283 : memref<1x200x128xf32, #tpu.memory_space<vmem>> -> memref<200x128xf32, #tpu.memory_space<vmem>>
        %dma_start3A_285 = tpu.memref_slice %arg5[%mul3A_279] : memref<25600xi32, #tpu.memory_space<vmem>> -> memref<200xi32, #tpu.memory_space<vmem>>
        %dma_start3A_286 = arith.constant 0 : i32
        %dma_start3A_287 = arith.constant 0 : i32
        %dma_start3A_288 = tpu.memref_slice %arg2[%dma_start3A_286, %dma_start3A_287] : memref<100000x128xf32, #tpu.memory_space<hbm>> -> memref<100000x128xf32, #tpu.memory_space<hbm>>
        tpu.enqueue_indirect_dma source(%dma_start3A_288 : memref<100000x128xf32, #tpu.memory_space<hbm>>) target(%dma_start3A_284 : memref<200x128xf32, #tpu.memory_space<vmem>>) offsets(%dma_start3A_285 : memref<200xi32, #tpu.memory_space<vmem>>) semaphore(%arg10 : memref<!tpu.dma_semaphore, #tpu.memory_space<semaphore_mem>>)
      } else {
      }
      %add3A_105 = arith.constant 0 : i32
      %add3A_106 = arith.addi %mul3A_97, %add3A_105 : i32
      %mul3A_107 = arith.constant 200 : i32
      %mul3A_108 = arith.muli %add3A_106, %mul3A_107 : i32
      %dma_wait3A_109 = arith.constant 0 : i32
      %dma_wait3A_110 = arith.constant 0 : i32
      %dma_wait3A_111 = arith.constant 0 : i32
      %dma_wait3A_112 = tpu.memref_slice %arg6[%dma_wait3A_109, %dma_wait3A_110, %dma_wait3A_111] : memref<4x200x128xf32, #tpu.memory_space<vmem>> -> memref<1x200x128xf32, #tpu.memory_space<vmem>>
      %dma_wait3A_113 = tpu.memref_squeeze %dma_wait3A_112 : memref<1x200x128xf32, #tpu.memory_space<vmem>> -> memref<200x128xf32, #tpu.memory_space<vmem>>
      %dma_wait3A_114 = tpu.memref_slice %arg5[%mul3A_108] : memref<25600xi32, #tpu.memory_space<vmem>> -> memref<200xi32, #tpu.memory_space<vmem>>
      %dma_wait3A_115 = arith.constant 0 : i32
      %dma_wait3A_116 = arith.constant 0 : i32
      %dma_wait3A_117 = tpu.memref_slice %arg2[%dma_wait3A_115, %dma_wait3A_116] : memref<100000x128xf32, #tpu.memory_space<hbm>> -> memref<100000x128xf32, #tpu.memory_space<hbm>>
      tpu.wait_indirect_dma semaphore(%arg7 : memref<!tpu.dma_semaphore, #tpu.memory_space<semaphore_mem>>) src(%dma_wait3A_117 : memref<100000x128xf32, #tpu.memory_space<hbm>>) dst(%dma_wait3A_113 : memref<200x128xf32, #tpu.memory_space<vmem>>)
      %scan3A_118 = arith.constant 0 : i32
      %scan3A_119 = arith.constant 200 : i32
      %scan3A_120 = arith.addi %scan3A_118, %scan3A_119 : i32
      %scan3A_121 = arith.constant 2 : i32
      scf.for %scan3A_274 = %scan3A_118 to %scan3A_120 step %scan3A_121  : i32 {
        %get3A = arith.constant 0 : i32
        %get3A_275 = arith.index_cast %get3A : i32 to index
        %get3A_276 = arith.index_cast %scan3A_274 : i32 to index
        %get3A_277 = arith.constant 0 : index
        %get3A_278 = tpu.vector_load %arg6[%get3A_275, %get3A_276, %get3A_277] {strides = array<i32>} : memref<4x200x128xf32, #tpu.memory_space<vmem>>, vector<1x1x16xf32>,
        %get3A_279 = vector.shape_cast %get3A_278 : vector<1x1x16xf32> to vector<16xf32>
        %mul3A_280 = arith.constant 11.3137083 : f32
        %mul3A_281 = vector.broadcast %mul3A_280 : f32 to vector<16xf32>
        %mul3A_282 = arith.mulf %get3A_279, %mul3A_281 : vector<16xf32>
        %swap3A = arith.constant 0 : i32
        %swap3A_283 = arith.index_cast %swap3A : i32 to index
        %swap3A_284 = arith.index_cast %scan3A_274 : i32 to index
        %swap3A_285 = arith.constant 0 : index
        %swap3A_286 = tpu.vector_load %arg6[%swap3A_283, %swap3A_284, %swap3A_285] {strides = array<i32>} : memref<4x200x128xf32, #tpu.memory_space<vmem>>, vector<1x1x16xf32>,
        %swap3A_287 = vector.shape_cast %swap3A_286 : vector<1x1x16xf32> to vector<16xf32>
        %swap3A_288 = vector.shape_cast %mul3A_282 : vector<16xf32> to vector<1x1x16xf32>
        tpu.vector_store %arg6[%swap3A_283, %swap3A_284, %swap3A_285], %swap3A_288 {strides = array<i32>} : memref<4x200x128xf32, #tpu.memory_space<vmem>>, vector<1x1x16xf32>,
        %get3A_289 = arith.constant 0 : i32
        %get3A_290 = arith.index_cast %get3A_289 : i32 to index
        %get3A_291 = arith.index_cast %scan3A_274 : i32 to index
        %get3A_292 = arith.constant 16 : index
        %get3A_293 = tpu.vector_load %arg6[%get3A_290, %get3A_291, %get3A_292] {strides = array<i32>} : memref<4x200x128xf32, #tpu.memory_space<vmem>>, vector<1x1x16xf32>,
        %get3A_294 = vector.shape_cast %get3A_293 : vector<1x1x16xf32> to vector<16xf32>
        %mul3A_295 = arith.constant 11.3137083 : f32
        %mul3A_296 = vector.broadcast %mul3A_295 : f32 to vector<16xf32>
        %mul3A_297 = arith.mulf %get3A_294, %mul3A_296 : vector<16xf32>
        %swap3A_298 = arith.constant 0 : i32
        %swap3A_299 = arith.index_cast %swap3A_298 : i32 to index
        %swap3A_300 = arith.index_cast %scan3A_274 : i32 to index
        %swap3A_301 = arith.constant 16 : index
        %swap3A_302 = tpu.vector_load %arg6[%swap3A_299, %swap3A_300, %swap3A_301] {strides = array<i32>} : memref<4x200x128xf32, #tpu.memory_space<vmem>>, vector<1x1x16xf32>,
        %swap3A_303 = vector.shape_cast %swap3A_302 : vector<1x1x16xf32> to vector<16xf32>
        %swap3A_304 = vector.shape_cast %mul3A_297 : vector<16xf32> to vector<1x1x16xf32>
        tpu.vector_store %arg6[%swap3A_299, %swap3A_300, %swap3A_301], %swap3A_304 {strides = array<i32>} : memref<4x200x128xf32, #tpu.memory_space<vmem>>, vector<1x1x16xf32>,
        %get3A_305 = arith.constant 0 : i32
        %get3A_306 = arith.index_cast %get3A_305 : i32 to index
        %get3A_307 = arith.index_cast %scan3A_274 : i32 to index
        %get3A_308 = arith.constant 32 : index
        %get3A_309 = tpu.vector_load %arg6[%get3A_306, %get3A_307, %get3A_308] {strides = array<i32>} : memref<4x200x128xf32, #tpu.memory_space<vmem>>, vector<1x1x16xf32>,
        %get3A_310 = vector.shape_cast %get3A_309 : vector<1x1x16xf32> to vector<16xf32>
        %mul3A_311 = arith.constant 11.3137083 : f32
        %mul3A_312 = vector.broadcast %mul3A_311 : f32 to vector<16xf32>
        %mul3A_313 = arith.mulf %get3A_310, %mul3A_312 : vector<16xf32>
        %swap3A_314 = arith.constant 0 : i32
        %swap3A_315 = arith.index_cast %swap3A_314 : i32 to index
        %swap3A_316 = arith.index_cast %scan3A_274 : i32 to index
        %swap3A_317 = arith.constant 32 : index
        %swap3A_318 = tpu.vector_load %arg6[%swap3A_315, %swap3A_316, %swap3A_317] {strides = array<i32>} : memref<4x200x128xf32, #tpu.memory_space<vmem>>, vector<1x1x16xf32>,
        %swap3A_319 = vector.shape_cast %swap3A_318 : vector<1x1x16xf32> to vector<16xf32>
        %swap3A_320 = vector.shape_cast %mul3A_313 : vector<16xf32> to vector<1x1x16xf32>
        tpu.vector_store %arg6[%swap3A_315, %swap3A_316, %swap3A_317], %swap3A_320 {strides = array<i32>} : memref<4x200x128xf32, #tpu.memory_space<vmem>>, vector<1x1x16xf32>,
        %get3A_321 = arith.constant 0 : i32
        %get3A_322 = arith.index_cast %get3A_321 : i32 to index
        %get3A_323 = arith.index_cast %scan3A_274 : i32 to index
        %get3A_324 = arith.constant 48 : index
        %get3A_325 = tpu.vector_load %arg6[%get3A_322, %get3A_323, %get3A_324] {strides = array<i32>} : memref<4x200x128xf32, #tpu.memory_space<vmem>>, vector<1x1x16xf32>,
        %get3A_326 = vector.shape_cast %get3A_325 : vector<1x1x16xf32> to vector<16xf32>
        %mul3A_327 = arith.constant 11.3137083 : f32
        %mul3A_328 = vector.broadcast %mul3A_327 : f32 to vector<16xf32>
        %mul3A_329 = arith.mulf %get3A_326, %mul3A_328 : vector<16xf32>
        %swap3A_330 = arith.constant 0 : i32
        %swap3A_331 = arith.index_cast %swap3A_330 : i32 to index
        %swap3A_332 = arith.index_cast %scan3A_274 : i32 to index
        %swap3A_333 = arith.constant 48 : index
        %swap3A_334 = tpu.vector_load %arg6[%swap3A_331, %swap3A_332, %swap3A_333] {strides = array<i32>} : memref<4x200x128xf32, #tpu.memory_space<vmem>>, vector<1x1x16xf32>,
        %swap3A_335 = vector.shape_cast %swap3A_334 : vector<1x1x16xf32> to vector<16xf32>
        %swap3A_336 = vector.shape_cast %mul3A_329 : vector<16xf32> to vector<1x1x16xf32>
        tpu.vector_store %arg6[%swap3A_331, %swap3A_332, %swap3A_333], %swap3A_336 {strides = array<i32>} : memref<4x200x128xf32, #tpu.memory_space<vmem>>, vector<1x1x16xf32>,
        %get3A_337 = arith.constant 0 : i32
        %get3A_338 = arith.index_cast %get3A_337 : i32 to index
        %get3A_339 = arith.index_cast %scan3A_274 : i32 to index
        %get3A_340 = arith.constant 64 : index
        %get3A_341 = tpu.vector_load %arg6[%get3A_338, %get3A_339, %get3A_340] {strides = array<i32>} : memref<4x200x128xf32, #tpu.memory_space<vmem>>, vector<1x1x16xf32>,
        %get3A_342 = vector.shape_cast %get3A_341 : vector<1x1x16xf32> to vector<16xf32>
        %mul3A_343 = arith.constant 11.3137083 : f32
        %mul3A_344 = vector.broadcast %mul3A_343 : f32 to vector<16xf32>
        %mul3A_345 = arith.mulf %get3A_342, %mul3A_344 : vector<16xf32>
        %swap3A_346 = arith.constant 0 : i32
        %swap3A_347 = arith.index_cast %swap3A_346 : i32 to index
        %swap3A_348 = arith.index_cast %scan3A_274 : i32 to index
        %swap3A_349 = arith.constant 64 : index
        %swap3A_350 = tpu.vector_load %arg6[%swap3A_347, %swap3A_348, %swap3A_349] {strides = array<i32>} : memref<4x200x128xf32, #tpu.memory_space<vmem>>, vector<1x1x16xf32>,
        %swap3A_351 = vector.shape_cast %swap3A_350 : vector<1x1x16xf32> to vector<16xf32>
        %swap3A_352 = vector.shape_cast %mul3A_345 : vector<16xf32> to vector<1x1x16xf32>
        tpu.vector_store %arg6[%swap3A_347, %swap3A_348, %swap3A_349], %swap3A_352 {strides = array<i32>} : memref<4x200x128xf32, #tpu.memory_space<vmem>>, vector<1x1x16xf32>,
        %get3A_353 = arith.constant 0 : i32
        %get3A_354 = arith.index_cast %get3A_353 : i32 to index
        %get3A_355 = arith.index_cast %scan3A_274 : i32 to index
        %get3A_356 = arith.constant 80 : index
        %get3A_357 = tpu.vector_load %arg6[%get3A_354, %get3A_355, %get3A_356] {strides = array<i32>} : memref<4x200x128xf32, #tpu.memory_space<vmem>>, vector<1x1x16xf32>,
        %get3A_358 = vector.shape_cast %get3A_357 : vector<1x1x16xf32> to vector<16xf32>
        %mul3A_359 = arith.constant 11.3137083 : f32
        %mul3A_360 = vector.broadcast %mul3A_359 : f32 to vector<16xf32>
        %mul3A_361 = arith.mulf %get3A_358, %mul3A_360 : vector<16xf32>
        %swap3A_362 = arith.constant 0 : i32
        %swap3A_363 = arith.index_cast %swap3A_362 : i32 to index
        %swap3A_364 = arith.index_cast %scan3A_274 : i32 to index
        %swap3A_365 = arith.constant 80 : index
        %swap3A_366 = tpu.vector_load %arg6[%swap3A_363, %swap3A_364, %swap3A_365] {strides = array<i32>} : memref<4x200x128xf32, #tpu.memory_space<vmem>>, vector<1x1x16xf32>,
        %swap3A_367 = vector.shape_cast %swap3A_366 : vector<1x1x16xf32> to vector<16xf32>
        %swap3A_368 = vector.shape_cast %mul3A_361 : vector<16xf32> to vector<1x1x16xf32>
        tpu.vector_store %arg6[%swap3A_363, %swap3A_364, %swap3A_365], %swap3A_368 {strides = array<i32>} : memref<4x200x128xf32, #tpu.memory_space<vmem>>, vector<1x1x16xf32>,
        %get3A_369 = arith.constant 0 : i32
        %get3A_370 = arith.index_cast %get3A_369 : i32 to index
        %get3A_371 = arith.index_cast %scan3A_274 : i32 to index
        %get3A_372 = arith.constant 96 : index
        %get3A_373 = tpu.vector_load %arg6[%get3A_370, %get3A_371, %get3A_372] {strides = array<i32>} : memref<4x200x128xf32, #tpu.memory_space<vmem>>, vector<1x1x16xf32>,
        %get3A_374 = vector.shape_cast %get3A_373 : vector<1x1x16xf32> to vector<16xf32>
        %mul3A_375 = arith.constant 11.3137083 : f32
        %mul3A_376 = vector.broadcast %mul3A_375 : f32 to vector<16xf32>
        %mul3A_377 = arith.mulf %get3A_374, %mul3A_376 : vector<16xf32>
        %swap3A_378 = arith.constant 0 : i32
        %swap3A_379 = arith.index_cast %swap3A_378 : i32 to index
        %swap3A_380 = arith.index_cast %scan3A_274 : i32 to index
        %swap3A_381 = arith.constant 96 : index
        %swap3A_382 = tpu.vector_load %arg6[%swap3A_379, %swap3A_380, %swap3A_381] {strides = array<i32>} : memref<4x200x128xf32, #tpu.memory_space<vmem>>, vector<1x1x16xf32>,
        %swap3A_383 = vector.shape_cast %swap3A_382 : vector<1x1x16xf32> to vector<16xf32>
        %swap3A_384 = vector.shape_cast %mul3A_377 : vector<16xf32> to vector<1x1x16xf32>
        tpu.vector_store %arg6[%swap3A_379, %swap3A_380, %swap3A_381], %swap3A_384 {strides = array<i32>} : memref<4x200x128xf32, #tpu.memory_space<vmem>>, vector<1x1x16xf32>,
        %get3A_385 = arith.constant 0 : i32
        %get3A_386 = arith.index_cast %get3A_385 : i32 to index
        %get3A_387 = arith.index_cast %scan3A_274 : i32 to index
        %get3A_388 = arith.constant 112 : index
        %get3A_389 = tpu.vector_load %arg6[%get3A_386, %get3A_387, %get3A_388] {strides = array<i32>} : memref<4x200x128xf32, #tpu.memory_space<vmem>>, vector<1x1x16xf32>,
        %get3A_390 = vector.shape_cast %get3A_389 : vector<1x1x16xf32> to vector<16xf32>
        %mul3A_391 = arith.constant 11.3137083 : f32
        %mul3A_392 = vector.broadcast %mul3A_391 : f32 to vector<16xf32>
        %mul3A_393 = arith.mulf %get3A_390, %mul3A_392 : vector<16xf32>
        %swap3A_394 = arith.constant 0 : i32
        %swap3A_395 = arith.index_cast %swap3A_394 : i32 to index
        %swap3A_396 = arith.index_cast %scan3A_274 : i32 to index
        %swap3A_397 = arith.constant 112 : index
        %swap3A_398 = tpu.vector_load %arg6[%swap3A_395, %swap3A_396, %swap3A_397] {strides = array<i32>} : memref<4x200x128xf32, #tpu.memory_space<vmem>>, vector<1x1x16xf32>,
        %swap3A_399 = vector.shape_cast %swap3A_398 : vector<1x1x16xf32> to vector<16xf32>
        %swap3A_400 = vector.shape_cast %mul3A_393 : vector<16xf32> to vector<1x1x16xf32>
        tpu.vector_store %arg6[%swap3A_395, %swap3A_396, %swap3A_397], %swap3A_400 {strides = array<i32>} : memref<4x200x128xf32, #tpu.memory_space<vmem>>, vector<1x1x16xf32>,
        %scan3A_401 = arith.constant 1 : i32
        %scan3A_402 = arith.addi %scan3A_274, %scan3A_401 : i32
        %get3A_403 = arith.constant 0 : i32
        %get3A_404 = arith.index_cast %get3A_403 : i32 to index
        %get3A_405 = arith.index_cast %scan3A_402 : i32 to index
        %get3A_406 = arith.constant 0 : index
        %get3A_407 = tpu.vector_load %arg6[%get3A_404, %get3A_405, %get3A_406] {strides = array<i32>} : memref<4x200x128xf32, #tpu.memory_space<vmem>>, vector<1x1x16xf32>,
        %get3A_408 = vector.shape_cast %get3A_407 : vector<1x1x16xf32> to vector<16xf32>
        %mul3A_409 = arith.constant 11.3137083 : f32
        %mul3A_410 = vector.broadcast %mul3A_409 : f32 to vector<16xf32>
        %mul3A_411 = arith.mulf %get3A_408, %mul3A_410 : vector<16xf32>
        %swap3A_412 = arith.constant 0 : i32
        %swap3A_413 = arith.index_cast %swap3A_412 : i32 to index
        %swap3A_414 = arith.index_cast %scan3A_402 : i32 to index
        %swap3A_415 = arith.constant 0 : index
        %swap3A_416 = tpu.vector_load %arg6[%swap3A_413, %swap3A_414, %swap3A_415] {strides = array<i32>} : memref<4x200x128xf32, #tpu.memory_space<vmem>>, vector<1x1x16xf32>,
        %swap3A_417 = vector.shape_cast %swap3A_416 : vector<1x1x16xf32> to vector<16xf32>
        %swap3A_418 = vector.shape_cast %mul3A_411 : vector<16xf32> to vector<1x1x16xf32>
        tpu.vector_store %arg6[%swap3A_413, %swap3A_414, %swap3A_415], %swap3A_418 {strides = array<i32>} : memref<4x200x128xf32, #tpu.memory_space<vmem>>, vector<1x1x16xf32>,
        %get3A_419 = arith.constant 0 : i32
        %get3A_420 = arith.index_cast %get3A_419 : i32 to index
        %get3A_421 = arith.index_cast %scan3A_402 : i32 to index
        %get3A_422 = arith.constant 16 : index
        %get3A_423 = tpu.vector_load %arg6[%get3A_420, %get3A_421, %get3A_422] {strides = array<i32>} : memref<4x200x128xf32, #tpu.memory_space<vmem>>, vector<1x1x16xf32>,
        %get3A_424 = vector.shape_cast %get3A_423 : vector<1x1x16xf32> to vector<16xf32>
        %mul3A_425 = arith.constant 11.3137083 : f32
        %mul3A_426 = vector.broadcast %mul3A_425 : f32 to vector<16xf32>
        %mul3A_427 = arith.mulf %get3A_424, %mul3A_426 : vector<16xf32>
        %swap3A_428 = arith.constant 0 : i32
        %swap3A_429 = arith.index_cast %swap3A_428 : i32 to index
        %swap3A_430 = arith.index_cast %scan3A_402 : i32 to index
        %swap3A_431 = arith.constant 16 : index
        %swap3A_432 = tpu.vector_load %arg6[%swap3A_429, %swap3A_430, %swap3A_431] {strides = array<i32>} : memref<4x200x128xf32, #tpu.memory_space<vmem>>, vector<1x1x16xf32>,
        %swap3A_433 = vector.shape_cast %swap3A_432 : vector<1x1x16xf32> to vector<16xf32>
        %swap3A_434 = vector.shape_cast %mul3A_427 : vector<16xf32> to vector<1x1x16xf32>
        tpu.vector_store %arg6[%swap3A_429, %swap3A_430, %swap3A_431], %swap3A_434 {strides = array<i32>} : memref<4x200x128xf32, #tpu.memory_space<vmem>>, vector<1x1x16xf32>,
        %get3A_435 = arith.constant 0 : i32
        %get3A_436 = arith.index_cast %get3A_435 : i32 to index
        %get3A_437 = arith.index_cast %scan3A_402 : i32 to index
        %get3A_438 = arith.constant 32 : index
        %get3A_439 = tpu.vector_load %arg6[%get3A_436, %get3A_437, %get3A_438] {strides = array<i32>} : memref<4x200x128xf32, #tpu.memory_space<vmem>>, vector<1x1x16xf32>,
        %get3A_440 = vector.shape_cast %get3A_439 : vector<1x1x16xf32> to vector<16xf32>
        %mul3A_441 = arith.constant 11.3137083 : f32
        %mul3A_442 = vector.broadcast %mul3A_441 : f32 to vector<16xf32>
        %mul3A_443 = arith.mulf %get3A_440, %mul3A_442 : vector<16xf32>
        %swap3A_444 = arith.constant 0 : i32
        %swap3A_445 = arith.index_cast %swap3A_444 : i32 to index
        %swap3A_446 = arith.index_cast %scan3A_402 : i32 to index
        %swap3A_447 = arith.constant 32 : index
        %swap3A_448 = tpu.vector_load %arg6[%swap3A_445, %swap3A_446, %swap3A_447] {strides = array<i32>} : memref<4x200x128xf32, #tpu.memory_space<vmem>>, vector<1x1x16xf32>,
        %swap3A_449 = vector.shape_cast %swap3A_448 : vector<1x1x16xf32> to vector<16xf32>
        %swap3A_450 = vector.shape_cast %mul3A_443 : vector<16xf32> to vector<1x1x16xf32>
        tpu.vector_store %arg6[%swap3A_445, %swap3A_446, %swap3A_447], %swap3A_450 {strides = array<i32>} : memref<4x200x128xf32, #tpu.memory_space<vmem>>, vector<1x1x16xf32>,
        %get3A_451 = arith.constant 0 : i32
        %get3A_452 = arith.index_cast %get3A_451 : i32 to index
        %get3A_453 = arith.index_cast %scan3A_402 : i32 to index
        %get3A_454 = arith.constant 48 : index
        %get3A_455 = tpu.vector_load %arg6[%get3A_452, %get3A_453, %get3A_454] {strides = array<i32>} : memref<4x200x128xf32, #tpu.memory_space<vmem>>, vector<1x1x16xf32>,
        %get3A_456 = vector.shape_cast %get3A_455 : vector<1x1x16xf32> to vector<16xf32>
        %mul3A_457 = arith.constant 11.3137083 : f32
        %mul3A_458 = vector.broadcast %mul3A_457 : f32 to vector<16xf32>
        %mul3A_459 = arith.mulf %get3A_456, %mul3A_458 : vector<16xf32>
        %swap3A_460 = arith.constant 0 : i32
        %swap3A_461 = arith.index_cast %swap3A_460 : i32 to index
        %swap3A_462 = arith.index_cast %scan3A_402 : i32 to index
        %swap3A_463 = arith.constant 48 : index
        %swap3A_464 = tpu.vector_load %arg6[%swap3A_461, %swap3A_462, %swap3A_463] {strides = array<i32>} : memref<4x200x128xf32, #tpu.memory_space<vmem>>, vector<1x1x16xf32>,
        %swap3A_465 = vector.shape_cast %swap3A_464 : vector<1x1x16xf32> to vector<16xf32>
        %swap3A_466 = vector.shape_cast %mul3A_459 : vector<16xf32> to vector<1x1x16xf32>
        tpu.vector_store %arg6[%swap3A_461, %swap3A_462, %swap3A_463], %swap3A_466 {strides = array<i32>} : memref<4x200x128xf32, #tpu.memory_space<vmem>>, vector<1x1x16xf32>,
        %get3A_467 = arith.constant 0 : i32
        %get3A_468 = arith.index_cast %get3A_467 : i32 to index
        %get3A_469 = arith.index_cast %scan3A_402 : i32 to index
        %get3A_470 = arith.constant 64 : index
        %get3A_471 = tpu.vector_load %arg6[%get3A_468, %get3A_469, %get3A_470] {strides = array<i32>} : memref<4x200x128xf32, #tpu.memory_space<vmem>>, vector<1x1x16xf32>,
        %get3A_472 = vector.shape_cast %get3A_471 : vector<1x1x16xf32> to vector<16xf32>
        %mul3A_473 = arith.constant 11.3137083 : f32
        %mul3A_474 = vector.broadcast %mul3A_473 : f32 to vector<16xf32>
        %mul3A_475 = arith.mulf %get3A_472, %mul3A_474 : vector<16xf32>
        %swap3A_476 = arith.constant 0 : i32
        %swap3A_477 = arith.index_cast %swap3A_476 : i32 to index
        %swap3A_478 = arith.index_cast %scan3A_402 : i32 to index
        %swap3A_479 = arith.constant 64 : index
        %swap3A_480 = tpu.vector_load %arg6[%swap3A_477, %swap3A_478, %swap3A_479] {strides = array<i32>} : memref<4x200x128xf32, #tpu.memory_space<vmem>>, vector<1x1x16xf32>,
        %swap3A_481 = vector.shape_cast %swap3A_480 : vector<1x1x16xf32> to vector<16xf32>
        %swap3A_482 = vector.shape_cast %mul3A_475 : vector<16xf32> to vector<1x1x16xf32>
        tpu.vector_store %arg6[%swap3A_477, %swap3A_478, %swap3A_479], %swap3A_482 {strides = array<i32>} : memref<4x200x128xf32, #tpu.memory_space<vmem>>, vector<1x1x16xf32>,
        %get3A_483 = arith.constant 0 : i32
        %get3A_484 = arith.index_cast %get3A_483 : i32 to index
        %get3A_485 = arith.index_cast %scan3A_402 : i32 to index
        %get3A_486 = arith.constant 80 : index
        %get3A_487 = tpu.vector_load %arg6[%get3A_484, %get3A_485, %get3A_486] {strides = array<i32>} : memref<4x200x128xf32, #tpu.memory_space<vmem>>, vector<1x1x16xf32>,
        %get3A_488 = vector.shape_cast %get3A_487 : vector<1x1x16xf32> to vector<16xf32>
        %mul3A_489 = arith.constant 11.3137083 : f32
        %mul3A_490 = vector.broadcast %mul3A_489 : f32 to vector<16xf32>
        %mul3A_491 = arith.mulf %get3A_488, %mul3A_490 : vector<16xf32>
        %swap3A_492 = arith.constant 0 : i32
        %swap3A_493 = arith.index_cast %swap3A_492 : i32 to index
        %swap3A_494 = arith.index_cast %scan3A_402 : i32 to index
        %swap3A_495 = arith.constant 80 : index
        %swap3A_496 = tpu.vector_load %arg6[%swap3A_493, %swap3A_494, %swap3A_495] {strides = array<i32>} : memref<4x200x128xf32, #tpu.memory_space<vmem>>, vector<1x1x16xf32>,
        %swap3A_497 = vector.shape_cast %swap3A_496 : vector<1x1x16xf32> to vector<16xf32>
        %swap3A_498 = vector.shape_cast %mul3A_491 : vector<16xf32> to vector<1x1x16xf32>
        tpu.vector_store %arg6[%swap3A_493, %swap3A_494, %swap3A_495], %swap3A_498 {strides = array<i32>} : memref<4x200x128xf32, #tpu.memory_space<vmem>>, vector<1x1x16xf32>,
        %get3A_499 = arith.constant 0 : i32
        %get3A_500 = arith.index_cast %get3A_499 : i32 to index
        %get3A_501 = arith.index_cast %scan3A_402 : i32 to index
        %get3A_502 = arith.constant 96 : index
        %get3A_503 = tpu.vector_load %arg6[%get3A_500, %get3A_501, %get3A_502] {strides = array<i32>} : memref<4x200x128xf32, #tpu.memory_space<vmem>>, vector<1x1x16xf32>,
        %get3A_504 = vector.shape_cast %get3A_503 : vector<1x1x16xf32> to vector<16xf32>
        %mul3A_505 = arith.constant 11.3137083 : f32
        %mul3A_506 = vector.broadcast %mul3A_505 : f32 to vector<16xf32>
        %mul3A_507 = arith.mulf %get3A_504, %mul3A_506 : vector<16xf32>
        %swap3A_508 = arith.constant 0 : i32
        %swap3A_509 = arith.index_cast %swap3A_508 : i32 to index
        %swap3A_510 = arith.index_cast %scan3A_402 : i32 to index
        %swap3A_511 = arith.constant 96 : index
        %swap3A_512 = tpu.vector_load %arg6[%swap3A_509, %swap3A_510, %swap3A_511] {strides = array<i32>} : memref<4x200x128xf32, #tpu.memory_space<vmem>>, vector<1x1x16xf32>,
        %swap3A_513 = vector.shape_cast %swap3A_512 : vector<1x1x16xf32> to vector<16xf32>
        %swap3A_514 = vector.shape_cast %mul3A_507 : vector<16xf32> to vector<1x1x16xf32>
        tpu.vector_store %arg6[%swap3A_509, %swap3A_510, %swap3A_511], %swap3A_514 {strides = array<i32>} : memref<4x200x128xf32, #tpu.memory_space<vmem>>, vector<1x1x16xf32>,
        %get3A_515 = arith.constant 0 : i32
        %get3A_516 = arith.index_cast %get3A_515 : i32 to index
        %get3A_517 = arith.index_cast %scan3A_402 : i32 to index
        %get3A_518 = arith.constant 112 : index
        %get3A_519 = tpu.vector_load %arg6[%get3A_516, %get3A_517, %get3A_518] {strides = array<i32>} : memref<4x200x128xf32, #tpu.memory_space<vmem>>, vector<1x1x16xf32>,
        %get3A_520 = vector.shape_cast %get3A_519 : vector<1x1x16xf32> to vector<16xf32>
        %mul3A_521 = arith.constant 11.3137083 : f32
        %mul3A_522 = vector.broadcast %mul3A_521 : f32 to vector<16xf32>
        %mul3A_523 = arith.mulf %get3A_520, %mul3A_522 : vector<16xf32>
        %swap3A_524 = arith.constant 0 : i32
        %swap3A_525 = arith.index_cast %swap3A_524 : i32 to index
        %swap3A_526 = arith.index_cast %scan3A_402 : i32 to index
        %swap3A_527 = arith.constant 112 : index
        %swap3A_528 = tpu.vector_load %arg6[%swap3A_525, %swap3A_526, %swap3A_527] {strides = array<i32>} : memref<4x200x128xf32, #tpu.memory_space<vmem>>, vector<1x1x16xf32>,
        %swap3A_529 = vector.shape_cast %swap3A_528 : vector<1x1x16xf32> to vector<16xf32>
        %swap3A_530 = vector.shape_cast %mul3A_523 : vector<16xf32> to vector<1x1x16xf32>
        tpu.vector_store %arg6[%swap3A_525, %swap3A_526, %swap3A_527], %swap3A_530 {strides = array<i32>} : memref<4x200x128xf32, #tpu.memory_space<vmem>>, vector<1x1x16xf32>,
      }
      %scan3A_122 = arith.constant 200 : i32
      %mul3A_123 = arith.constant 200 : i32
      %mul3A_124 = arith.muli %add3A_106, %mul3A_123 : i32
      %add3A_125 = arith.addi %mul3A_2, %mul3A_124 : i32
      %dma_start3A_126 = arith.constant 0 : i32
      %dma_start3A_127 = arith.constant 0 : i32
      %dma_start3A_128 = arith.constant 0 : i32
      %dma_start3A_129 = tpu.memref_slice %arg6[%dma_start3A_126, %dma_start3A_127, %dma_start3A_128] : memref<4x200x128xf32, #tpu.memory_space<vmem>> -> memref<1x200x128xf32, #tpu.memory_space<vmem>>
      %dma_start3A_130 = tpu.memref_squeeze %dma_start3A_129 : memref<1x200x128xf32, #tpu.memory_space<vmem>> -> memref<200x128xf32, #tpu.memory_space<vmem>>
      %dma_start3A_131 = arith.constant 0 : i32
      %dma_start3A_132 = tpu.memref_slice %arg4[%add3A_125, %dma_start3A_131] : memref<819200x128xf32, #tpu.memory_space<hbm>> -> memref<200x128xf32, #tpu.memory_space<hbm>>
      %dma_start3A_133 = arith.constant 0 : i32
      %dma_start3A_134 = tpu.memref_slice %arg4[%add3A_125, %dma_start3A_133] : memref<819200x128xf32, #tpu.memory_space<hbm>> -> memref<200x128xf32, #tpu.memory_space<hbm>>
      %dma_start3A_135 = arith.constant 0 : i32
      %dma_start3A_136 = arith.constant 0 : i32
      %dma_start3A_137 = tpu.memref_slice %arg6[%dma_start3A_126, %dma_start3A_135, %dma_start3A_136] : memref<4x200x128xf32, #tpu.memory_space<vmem>> -> memref<1x200x128xf32, #tpu.memory_space<vmem>>
      %dma_start3A_138 = tpu.memref_squeeze %dma_start3A_137 : memref<1x200x128xf32, #tpu.memory_space<vmem>> -> memref<200x128xf32, #tpu.memory_space<vmem>>
      tpu.enqueue_dma source(%dma_start3A_138 : memref<200x128xf32, #tpu.memory_space<vmem>>) target(%dma_start3A_134 : memref<200x128xf32, #tpu.memory_space<hbm>>) target_semaphore(%arg11 : memref<!tpu.dma_semaphore, #tpu.memory_space<semaphore_mem>>)
      %add3A_139 = arith.constant 1 : i32
      %add3A_140 = arith.addi %mul3A_97, %add3A_139 : i32
      %add3A_141 = arith.constant 4 : i32
      %add3A_142 = arith.addi %add3A_140, %add3A_141 : i32
      %sub3A_143 = arith.constant 1 : i32
      %sub3A_144 = arith.subi %add3A_142, %sub3A_143 : i32
      %lt3A_145 = arith.constant 128 : i32
      %lt3A_146 = arith.cmpi slt, %sub3A_144, %lt3A_145 : i32
      %convert_element_type3A_147 = arith.extui %lt3A_146 : i1 to i32
      %cond3A_148 = arith.constant 0 : i32
      %cond3A_149 = arith.cmpi ne, %convert_element_type3A_147, %cond3A_148 : i32
      scf.if %cond3A_149 {
        %ge3A = arith.constant 4 : i32
        %ge3A_274 = arith.cmpi sge, %sub3A_144, %ge3A : i32
        %convert_element_type3A_275 = arith.extui %ge3A_274 : i1 to i32
        %cond3A_276 = arith.constant 0 : i32
        %cond3A_277 = arith.cmpi ne, %convert_element_type3A_275, %cond3A_276 : i32
        scf.if %cond3A_277 {
          %sub3A_289 = arith.constant 4 : i32
          %sub3A_290 = arith.subi %sub3A_144, %sub3A_289 : i32
          %mul3A_291 = arith.constant 200 : i32
          %mul3A_292 = arith.muli %sub3A_290, %mul3A_291 : i32
          %add3A_293 = arith.addi %mul3A_2, %mul3A_292 : i32
          %dma_wait3A_294 = arith.constant 0 : i32
          %dma_wait3A_295 = arith.constant 0 : i32
          %dma_wait3A_296 = arith.constant 0 : i32
          %dma_wait3A_297 = tpu.memref_slice %arg6[%dma_wait3A_294, %dma_wait3A_295, %dma_wait3A_296] : memref<4x200x128xf32, #tpu.memory_space<vmem>> -> memref<1x200x128xf32, #tpu.memory_space<vmem>>
          %dma_wait3A_298 = tpu.memref_squeeze %dma_wait3A_297 : memref<1x200x128xf32, #tpu.memory_space<vmem>> -> memref<200x128xf32, #tpu.memory_space<vmem>>
          %dma_wait3A_299 = arith.constant 0 : i32
          %dma_wait3A_300 = tpu.memref_slice %arg4[%add3A_293, %dma_wait3A_299] : memref<819200x128xf32, #tpu.memory_space<hbm>> -> memref<200x128xf32, #tpu.memory_space<hbm>>
          %dma_wait3A_301 = arith.constant 0 : i32
          %dma_wait3A_302 = tpu.memref_slice %arg4[%add3A_293, %dma_wait3A_301] : memref<819200x128xf32, #tpu.memory_space<hbm>> -> memref<200x128xf32, #tpu.memory_space<hbm>>
          %dma_wait3A_303 = arith.constant 0 : i32
          %dma_wait3A_304 = arith.constant 0 : i32
          %dma_wait3A_305 = tpu.memref_slice %arg6[%dma_wait3A_294, %dma_wait3A_303, %dma_wait3A_304] : memref<4x200x128xf32, #tpu.memory_space<vmem>> -> memref<1x200x128xf32, #tpu.memory_space<vmem>>
          %dma_wait3A_306 = tpu.memref_squeeze %dma_wait3A_305 : memref<1x200x128xf32, #tpu.memory_space<vmem>> -> memref<200x128xf32, #tpu.memory_space<vmem>>
          tpu.wait_dma2 semaphore(%arg11 : memref<!tpu.dma_semaphore, #tpu.memory_space<semaphore_mem>>) src(%dma_wait3A_306 : memref<200x128xf32, #tpu.memory_space<vmem>>) dst(%dma_wait3A_302 : memref<200x128xf32, #tpu.memory_space<hbm>>)
        } else {
        }
        %mul3A_278 = arith.constant 200 : i32
        %mul3A_279 = arith.muli %sub3A_144, %mul3A_278 : i32
        %dma_start3A_280 = arith.constant 0 : i32
        %dma_start3A_281 = arith.constant 0 : i32
        %dma_start3A_282 = arith.constant 0 : i32
        %dma_start3A_283 = tpu.memref_slice %arg6[%dma_start3A_280, %dma_start3A_281, %dma_start3A_282] : memref<4x200x128xf32, #tpu.memory_space<vmem>> -> memref<1x200x128xf32, #tpu.memory_space<vmem>>
        %dma_start3A_284 = tpu.memref_squeeze %dma_start3A_283 : memref<1x200x128xf32, #tpu.memory_space<vmem>> -> memref<200x128xf32, #tpu.memory_space<vmem>>
        %dma_start3A_285 = tpu.memref_slice %arg5[%mul3A_279] : memref<25600xi32, #tpu.memory_space<vmem>> -> memref<200xi32, #tpu.memory_space<vmem>>
        %dma_start3A_286 = arith.constant 0 : i32
        %dma_start3A_287 = arith.constant 0 : i32
        %dma_start3A_288 = tpu.memref_slice %arg2[%dma_start3A_286, %dma_start3A_287] : memref<100000x128xf32, #tpu.memory_space<hbm>> -> memref<100000x128xf32, #tpu.memory_space<hbm>>
        tpu.enqueue_indirect_dma source(%dma_start3A_288 : memref<100000x128xf32, #tpu.memory_space<hbm>>) target(%dma_start3A_284 : memref<200x128xf32, #tpu.memory_space<vmem>>) offsets(%dma_start3A_285 : memref<200xi32, #tpu.memory_space<vmem>>) semaphore(%arg7 : memref<!tpu.dma_semaphore, #tpu.memory_space<semaphore_mem>>)
      } else {
      }
      %add3A_150 = arith.constant 1 : i32
      %add3A_151 = arith.addi %mul3A_97, %add3A_150 : i32
      %mul3A_152 = arith.constant 200 : i32
      %mul3A_153 = arith.muli %add3A_151, %mul3A_152 : i32
      %dma_wait3A_154 = arith.constant 1 : i32
      %dma_wait3A_155 = arith.constant 0 : i32
      %dma_wait3A_156 = arith.constant 0 : i32
      %dma_wait3A_157 = tpu.memref_slice %arg6[%dma_wait3A_154, %dma_wait3A_155, %dma_wait3A_156] : memref<4x200x128xf32, #tpu.memory_space<vmem>> -> memref<1x200x128xf32, #tpu.memory_space<vmem>>
      %dma_wait3A_158 = tpu.memref_squeeze %dma_wait3A_157 : memref<1x200x128xf32, #tpu.memory_space<vmem>> -> memref<200x128xf32, #tpu.memory_space<vmem>>
      %dma_wait3A_159 = tpu.memref_slice %arg5[%mul3A_153] : memref<25600xi32, #tpu.memory_space<vmem>> -> memref<200xi32, #tpu.memory_space<vmem>>
      %dma_wait3A_160 = arith.constant 0 : i32
      %dma_wait3A_161 = arith.constant 0 : i32
      %dma_wait3A_162 = tpu.memref_slice %arg2[%dma_wait3A_160, %dma_wait3A_161] : memref<100000x128xf32, #tpu.memory_space<hbm>> -> memref<100000x128xf32, #tpu.memory_space<hbm>>
      tpu.wait_indirect_dma semaphore(%arg8 : memref<!tpu.dma_semaphore, #tpu.memory_space<semaphore_mem>>) src(%dma_wait3A_162 : memref<100000x128xf32, #tpu.memory_space<hbm>>) dst(%dma_wait3A_158 : memref<200x128xf32, #tpu.memory_space<vmem>>)
      %scan3A_163 = arith.constant 0 : i32
      %scan3A_164 = arith.constant 200 : i32
      %scan3A_165 = arith.addi %scan3A_163, %scan3A_164 : i32
      %scan3A_166 = arith.constant 2 : i32
      scf.for %scan3A_274 = %scan3A_163 to %scan3A_165 step %scan3A_166  : i32 {
        %get3A = arith.constant 1 : i32
        %get3A_275 = arith.index_cast %get3A : i32 to index
        %get3A_276 = arith.index_cast %scan3A_274 : i32 to index
        %get3A_277 = arith.constant 0 : index
        %get3A_278 = tpu.vector_load %arg6[%get3A_275, %get3A_276, %get3A_277] {strides = array<i32>} : memref<4x200x128xf32, #tpu.memory_space<vmem>>, vector<1x1x16xf32>,
        %get3A_279 = vector.shape_cast %get3A_278 : vector<1x1x16xf32> to vector<16xf32>
        %mul3A_280 = arith.constant 11.3137083 : f32
        %mul3A_281 = vector.broadcast %mul3A_280 : f32 to vector<16xf32>
        %mul3A_282 = arith.mulf %get3A_279, %mul3A_281 : vector<16xf32>
        %swap3A = arith.constant 1 : i32
        %swap3A_283 = arith.index_cast %swap3A : i32 to index
        %swap3A_284 = arith.index_cast %scan3A_274 : i32 to index
        %swap3A_285 = arith.constant 0 : index
        %swap3A_286 = tpu.vector_load %arg6[%swap3A_283, %swap3A_284, %swap3A_285] {strides = array<i32>} : memref<4x200x128xf32, #tpu.memory_space<vmem>>, vector<1x1x16xf32>,
        %swap3A_287 = vector.shape_cast %swap3A_286 : vector<1x1x16xf32> to vector<16xf32>
        %swap3A_288 = vector.shape_cast %mul3A_282 : vector<16xf32> to vector<1x1x16xf32>
        tpu.vector_store %arg6[%swap3A_283, %swap3A_284, %swap3A_285], %swap3A_288 {strides = array<i32>} : memref<4x200x128xf32, #tpu.memory_space<vmem>>, vector<1x1x16xf32>,
        %get3A_289 = arith.constant 1 : i32
        %get3A_290 = arith.index_cast %get3A_289 : i32 to index
        %get3A_291 = arith.index_cast %scan3A_274 : i32 to index
        %get3A_292 = arith.constant 16 : index
        %get3A_293 = tpu.vector_load %arg6[%get3A_290, %get3A_291, %get3A_292] {strides = array<i32>} : memref<4x200x128xf32, #tpu.memory_space<vmem>>, vector<1x1x16xf32>,
        %get3A_294 = vector.shape_cast %get3A_293 : vector<1x1x16xf32> to vector<16xf32>
        %mul3A_295 = arith.constant 11.3137083 : f32
        %mul3A_296 = vector.broadcast %mul3A_295 : f32 to vector<16xf32>
        %mul3A_297 = arith.mulf %get3A_294, %mul3A_296 : vector<16xf32>
        %swap3A_298 = arith.constant 1 : i32
        %swap3A_299 = arith.index_cast %swap3A_298 : i32 to index
        %swap3A_300 = arith.index_cast %scan3A_274 : i32 to index
        %swap3A_301 = arith.constant 16 : index
        %swap3A_302 = tpu.vector_load %arg6[%swap3A_299, %swap3A_300, %swap3A_301] {strides = array<i32>} : memref<4x200x128xf32, #tpu.memory_space<vmem>>, vector<1x1x16xf32>,
        %swap3A_303 = vector.shape_cast %swap3A_302 : vector<1x1x16xf32> to vector<16xf32>
        %swap3A_304 = vector.shape_cast %mul3A_297 : vector<16xf32> to vector<1x1x16xf32>
        tpu.vector_store %arg6[%swap3A_299, %swap3A_300, %swap3A_301], %swap3A_304 {strides = array<i32>} : memref<4x200x128xf32, #tpu.memory_space<vmem>>, vector<1x1x16xf32>,
        %get3A_305 = arith.constant 1 : i32
        %get3A_306 = arith.index_cast %get3A_305 : i32 to index
        %get3A_307 = arith.index_cast %scan3A_274 : i32 to index
        %get3A_308 = arith.constant 32 : index
        %get3A_309 = tpu.vector_load %arg6[%get3A_306, %get3A_307, %get3A_308] {strides = array<i32>} : memref<4x200x128xf32, #tpu.memory_space<vmem>>, vector<1x1x16xf32>,
        %get3A_310 = vector.shape_cast %get3A_309 : vector<1x1x16xf32> to vector<16xf32>
        %mul3A_311 = arith.constant 11.3137083 : f32
        %mul3A_312 = vector.broadcast %mul3A_311 : f32 to vector<16xf32>
        %mul3A_313 = arith.mulf %get3A_310, %mul3A_312 : vector<16xf32>
        %swap3A_314 = arith.constant 1 : i32
        %swap3A_315 = arith.index_cast %swap3A_314 : i32 to index
        %swap3A_316 = arith.index_cast %scan3A_274 : i32 to index
        %swap3A_317 = arith.constant 32 : index
        %swap3A_318 = tpu.vector_load %arg6[%swap3A_315, %swap3A_316, %swap3A_317] {strides = array<i32>} : memref<4x200x128xf32, #tpu.memory_space<vmem>>, vector<1x1x16xf32>,
        %swap3A_319 = vector.shape_cast %swap3A_318 : vector<1x1x16xf32> to vector<16xf32>
        %swap3A_320 = vector.shape_cast %mul3A_313 : vector<16xf32> to vector<1x1x16xf32>
        tpu.vector_store %arg6[%swap3A_315, %swap3A_316, %swap3A_317], %swap3A_320 {strides = array<i32>} : memref<4x200x128xf32, #tpu.memory_space<vmem>>, vector<1x1x16xf32>,
        %get3A_321 = arith.constant 1 : i32
        %get3A_322 = arith.index_cast %get3A_321 : i32 to index
        %get3A_323 = arith.index_cast %scan3A_274 : i32 to index
        %get3A_324 = arith.constant 48 : index
        %get3A_325 = tpu.vector_load %arg6[%get3A_322, %get3A_323, %get3A_324] {strides = array<i32>} : memref<4x200x128xf32, #tpu.memory_space<vmem>>, vector<1x1x16xf32>,
        %get3A_326 = vector.shape_cast %get3A_325 : vector<1x1x16xf32> to vector<16xf32>
        %mul3A_327 = arith.constant 11.3137083 : f32
        %mul3A_328 = vector.broadcast %mul3A_327 : f32 to vector<16xf32>
        %mul3A_329 = arith.mulf %get3A_326, %mul3A_328 : vector<16xf32>
        %swap3A_330 = arith.constant 1 : i32
        %swap3A_331 = arith.index_cast %swap3A_330 : i32 to index
        %swap3A_332 = arith.index_cast %scan3A_274 : i32 to index
        %swap3A_333 = arith.constant 48 : index
        %swap3A_334 = tpu.vector_load %arg6[%swap3A_331, %swap3A_332, %swap3A_333] {strides = array<i32>} : memref<4x200x128xf32, #tpu.memory_space<vmem>>, vector<1x1x16xf32>,
        %swap3A_335 = vector.shape_cast %swap3A_334 : vector<1x1x16xf32> to vector<16xf32>
        %swap3A_336 = vector.shape_cast %mul3A_329 : vector<16xf32> to vector<1x1x16xf32>
        tpu.vector_store %arg6[%swap3A_331, %swap3A_332, %swap3A_333], %swap3A_336 {strides = array<i32>} : memref<4x200x128xf32, #tpu.memory_space<vmem>>, vector<1x1x16xf32>,
        %get3A_337 = arith.constant 1 : i32
        %get3A_338 = arith.index_cast %get3A_337 : i32 to index
        %get3A_339 = arith.index_cast %scan3A_274 : i32 to index
        %get3A_340 = arith.constant 64 : index
        %get3A_341 = tpu.vector_load %arg6[%get3A_338, %get3A_339, %get3A_340] {strides = array<i32>} : memref<4x200x128xf32, #tpu.memory_space<vmem>>, vector<1x1x16xf32>,
        %get3A_342 = vector.shape_cast %get3A_341 : vector<1x1x16xf32> to vector<16xf32>
        %mul3A_343 = arith.constant 11.3137083 : f32
        %mul3A_344 = vector.broadcast %mul3A_343 : f32 to vector<16xf32>
        %mul3A_345 = arith.mulf %get3A_342, %mul3A_344 : vector<16xf32>
        %swap3A_346 = arith.constant 1 : i32
        %swap3A_347 = arith.index_cast %swap3A_346 : i32 to index
        %swap3A_348 = arith.index_cast %scan3A_274 : i32 to index
        %swap3A_349 = arith.constant 64 : index
        %swap3A_350 = tpu.vector_load %arg6[%swap3A_347, %swap3A_348, %swap3A_349] {strides = array<i32>} : memref<4x200x128xf32, #tpu.memory_space<vmem>>, vector<1x1x16xf32>,
        %swap3A_351 = vector.shape_cast %swap3A_350 : vector<1x1x16xf32> to vector<16xf32>
        %swap3A_352 = vector.shape_cast %mul3A_345 : vector<16xf32> to vector<1x1x16xf32>
        tpu.vector_store %arg6[%swap3A_347, %swap3A_348, %swap3A_349], %swap3A_352 {strides = array<i32>} : memref<4x200x128xf32, #tpu.memory_space<vmem>>, vector<1x1x16xf32>,
        %get3A_353 = arith.constant 1 : i32
        %get3A_354 = arith.index_cast %get3A_353 : i32 to index
        %get3A_355 = arith.index_cast %scan3A_274 : i32 to index
        %get3A_356 = arith.constant 80 : index
        %get3A_357 = tpu.vector_load %arg6[%get3A_354, %get3A_355, %get3A_356] {strides = array<i32>} : memref<4x200x128xf32, #tpu.memory_space<vmem>>, vector<1x1x16xf32>,
        %get3A_358 = vector.shape_cast %get3A_357 : vector<1x1x16xf32> to vector<16xf32>
        %mul3A_359 = arith.constant 11.3137083 : f32
        %mul3A_360 = vector.broadcast %mul3A_359 : f32 to vector<16xf32>
        %mul3A_361 = arith.mulf %get3A_358, %mul3A_360 : vector<16xf32>
        %swap3A_362 = arith.constant 1 : i32
        %swap3A_363 = arith.index_cast %swap3A_362 : i32 to index
        %swap3A_364 = arith.index_cast %scan3A_274 : i32 to index
        %swap3A_365 = arith.constant 80 : index
        %swap3A_366 = tpu.vector_load %arg6[%swap3A_363, %swap3A_364, %swap3A_365] {strides = array<i32>} : memref<4x200x128xf32, #tpu.memory_space<vmem>>, vector<1x1x16xf32>,
        %swap3A_367 = vector.shape_cast %swap3A_366 : vector<1x1x16xf32> to vector<16xf32>
        %swap3A_368 = vector.shape_cast %mul3A_361 : vector<16xf32> to vector<1x1x16xf32>
        tpu.vector_store %arg6[%swap3A_363, %swap3A_364, %swap3A_365], %swap3A_368 {strides = array<i32>} : memref<4x200x128xf32, #tpu.memory_space<vmem>>, vector<1x1x16xf32>,
        %get3A_369 = arith.constant 1 : i32
        %get3A_370 = arith.index_cast %get3A_369 : i32 to index
        %get3A_371 = arith.index_cast %scan3A_274 : i32 to index
        %get3A_372 = arith.constant 96 : index
        %get3A_373 = tpu.vector_load %arg6[%get3A_370, %get3A_371, %get3A_372] {strides = array<i32>} : memref<4x200x128xf32, #tpu.memory_space<vmem>>, vector<1x1x16xf32>,
        %get3A_374 = vector.shape_cast %get3A_373 : vector<1x1x16xf32> to vector<16xf32>
        %mul3A_375 = arith.constant 11.3137083 : f32
        %mul3A_376 = vector.broadcast %mul3A_375 : f32 to vector<16xf32>
        %mul3A_377 = arith.mulf %get3A_374, %mul3A_376 : vector<16xf32>
        %swap3A_378 = arith.constant 1 : i32
        %swap3A_379 = arith.index_cast %swap3A_378 : i32 to index
        %swap3A_380 = arith.index_cast %scan3A_274 : i32 to index
        %swap3A_381 = arith.constant 96 : index
        %swap3A_382 = tpu.vector_load %arg6[%swap3A_379, %swap3A_380, %swap3A_381] {strides = array<i32>} : memref<4x200x128xf32, #tpu.memory_space<vmem>>, vector<1x1x16xf32>,
        %swap3A_383 = vector.shape_cast %swap3A_382 : vector<1x1x16xf32> to vector<16xf32>
        %swap3A_384 = vector.shape_cast %mul3A_377 : vector<16xf32> to vector<1x1x16xf32>
        tpu.vector_store %arg6[%swap3A_379, %swap3A_380, %swap3A_381], %swap3A_384 {strides = array<i32>} : memref<4x200x128xf32, #tpu.memory_space<vmem>>, vector<1x1x16xf32>,
        %get3A_385 = arith.constant 1 : i32
        %get3A_386 = arith.index_cast %get3A_385 : i32 to index
        %get3A_387 = arith.index_cast %scan3A_274 : i32 to index
        %get3A_388 = arith.constant 112 : index
        %get3A_389 = tpu.vector_load %arg6[%get3A_386, %get3A_387, %get3A_388] {strides = array<i32>} : memref<4x200x128xf32, #tpu.memory_space<vmem>>, vector<1x1x16xf32>,
        %get3A_390 = vector.shape_cast %get3A_389 : vector<1x1x16xf32> to vector<16xf32>
        %mul3A_391 = arith.constant 11.3137083 : f32
        %mul3A_392 = vector.broadcast %mul3A_391 : f32 to vector<16xf32>
        %mul3A_393 = arith.mulf %get3A_390, %mul3A_392 : vector<16xf32>
        %swap3A_394 = arith.constant 1 : i32
        %swap3A_395 = arith.index_cast %swap3A_394 : i32 to index
        %swap3A_396 = arith.index_cast %scan3A_274 : i32 to index
        %swap3A_397 = arith.constant 112 : index
        %swap3A_398 = tpu.vector_load %arg6[%swap3A_395, %swap3A_396, %swap3A_397] {strides = array<i32>} : memref<4x200x128xf32, #tpu.memory_space<vmem>>, vector<1x1x16xf32>,
        %swap3A_399 = vector.shape_cast %swap3A_398 : vector<1x1x16xf32> to vector<16xf32>
        %swap3A_400 = vector.shape_cast %mul3A_393 : vector<16xf32> to vector<1x1x16xf32>
        tpu.vector_store %arg6[%swap3A_395, %swap3A_396, %swap3A_397], %swap3A_400 {strides = array<i32>} : memref<4x200x128xf32, #tpu.memory_space<vmem>>, vector<1x1x16xf32>,
        %scan3A_401 = arith.constant 1 : i32
        %scan3A_402 = arith.addi %scan3A_274, %scan3A_401 : i32
        %get3A_403 = arith.constant 1 : i32
        %get3A_404 = arith.index_cast %get3A_403 : i32 to index
        %get3A_405 = arith.index_cast %scan3A_402 : i32 to index
        %get3A_406 = arith.constant 0 : index
        %get3A_407 = tpu.vector_load %arg6[%get3A_404, %get3A_405, %get3A_406] {strides = array<i32>} : memref<4x200x128xf32, #tpu.memory_space<vmem>>, vector<1x1x16xf32>,
        %get3A_408 = vector.shape_cast %get3A_407 : vector<1x1x16xf32> to vector<16xf32>
        %mul3A_409 = arith.constant 11.3137083 : f32
        %mul3A_410 = vector.broadcast %mul3A_409 : f32 to vector<16xf32>
        %mul3A_411 = arith.mulf %get3A_408, %mul3A_410 : vector<16xf32>
        %swap3A_412 = arith.constant 1 : i32
        %swap3A_413 = arith.index_cast %swap3A_412 : i32 to index
        %swap3A_414 = arith.index_cast %scan3A_402 : i32 to index
        %swap3A_415 = arith.constant 0 : index
        %swap3A_416 = tpu.vector_load %arg6[%swap3A_413, %swap3A_414, %swap3A_415] {strides = array<i32>} : memref<4x200x128xf32, #tpu.memory_space<vmem>>, vector<1x1x16xf32>,
        %swap3A_417 = vector.shape_cast %swap3A_416 : vector<1x1x16xf32> to vector<16xf32>
        %swap3A_418 = vector.shape_cast %mul3A_411 : vector<16xf32> to vector<1x1x16xf32>
        tpu.vector_store %arg6[%swap3A_413, %swap3A_414, %swap3A_415], %swap3A_418 {strides = array<i32>} : memref<4x200x128xf32, #tpu.memory_space<vmem>>, vector<1x1x16xf32>,
        %get3A_419 = arith.constant 1 : i32
        %get3A_420 = arith.index_cast %get3A_419 : i32 to index
        %get3A_421 = arith.index_cast %scan3A_402 : i32 to index
        %get3A_422 = arith.constant 16 : index
        %get3A_423 = tpu.vector_load %arg6[%get3A_420, %get3A_421, %get3A_422] {strides = array<i32>} : memref<4x200x128xf32, #tpu.memory_space<vmem>>, vector<1x1x16xf32>,
        %get3A_424 = vector.shape_cast %get3A_423 : vector<1x1x16xf32> to vector<16xf32>
        %mul3A_425 = arith.constant 11.3137083 : f32
        %mul3A_426 = vector.broadcast %mul3A_425 : f32 to vector<16xf32>
        %mul3A_427 = arith.mulf %get3A_424, %mul3A_426 : vector<16xf32>
        %swap3A_428 = arith.constant 1 : i32
        %swap3A_429 = arith.index_cast %swap3A_428 : i32 to index
        %swap3A_430 = arith.index_cast %scan3A_402 : i32 to index
        %swap3A_431 = arith.constant 16 : index
        %swap3A_432 = tpu.vector_load %arg6[%swap3A_429, %swap3A_430, %swap3A_431] {strides = array<i32>} : memref<4x200x128xf32, #tpu.memory_space<vmem>>, vector<1x1x16xf32>,
        %swap3A_433 = vector.shape_cast %swap3A_432 : vector<1x1x16xf32> to vector<16xf32>
        %swap3A_434 = vector.shape_cast %mul3A_427 : vector<16xf32> to vector<1x1x16xf32>
        tpu.vector_store %arg6[%swap3A_429, %swap3A_430, %swap3A_431], %swap3A_434 {strides = array<i32>} : memref<4x200x128xf32, #tpu.memory_space<vmem>>, vector<1x1x16xf32>,
        %get3A_435 = arith.constant 1 : i32
        %get3A_436 = arith.index_cast %get3A_435 : i32 to index
        %get3A_437 = arith.index_cast %scan3A_402 : i32 to index
        %get3A_438 = arith.constant 32 : index
        %get3A_439 = tpu.vector_load %arg6[%get3A_436, %get3A_437, %get3A_438] {strides = array<i32>} : memref<4x200x128xf32, #tpu.memory_space<vmem>>, vector<1x1x16xf32>,
        %get3A_440 = vector.shape_cast %get3A_439 : vector<1x1x16xf32> to vector<16xf32>
        %mul3A_441 = arith.constant 11.3137083 : f32
        %mul3A_442 = vector.broadcast %mul3A_441 : f32 to vector<16xf32>
        %mul3A_443 = arith.mulf %get3A_440, %mul3A_442 : vector<16xf32>
        %swap3A_444 = arith.constant 1 : i32
        %swap3A_445 = arith.index_cast %swap3A_444 : i32 to index
        %swap3A_446 = arith.index_cast %scan3A_402 : i32 to index
        %swap3A_447 = arith.constant 32 : index
        %swap3A_448 = tpu.vector_load %arg6[%swap3A_445, %swap3A_446, %swap3A_447] {strides = array<i32>} : memref<4x200x128xf32, #tpu.memory_space<vmem>>, vector<1x1x16xf32>,
        %swap3A_449 = vector.shape_cast %swap3A_448 : vector<1x1x16xf32> to vector<16xf32>
        %swap3A_450 = vector.shape_cast %mul3A_443 : vector<16xf32> to vector<1x1x16xf32>
        tpu.vector_store %arg6[%swap3A_445, %swap3A_446, %swap3A_447], %swap3A_450 {strides = array<i32>} : memref<4x200x128xf32, #tpu.memory_space<vmem>>, vector<1x1x16xf32>,
        %get3A_451 = arith.constant 1 : i32
        %get3A_452 = arith.index_cast %get3A_451 : i32 to index
        %get3A_453 = arith.index_cast %scan3A_402 : i32 to index
        %get3A_454 = arith.constant 48 : index
        %get3A_455 = tpu.vector_load %arg6[%get3A_452, %get3A_453, %get3A_454] {strides = array<i32>} : memref<4x200x128xf32, #tpu.memory_space<vmem>>, vector<1x1x16xf32>,
        %get3A_456 = vector.shape_cast %get3A_455 : vector<1x1x16xf32> to vector<16xf32>
        %mul3A_457 = arith.constant 11.3137083 : f32
        %mul3A_458 = vector.broadcast %mul3A_457 : f32 to vector<16xf32>
        %mul3A_459 = arith.mulf %get3A_456, %mul3A_458 : vector<16xf32>
        %swap3A_460 = arith.constant 1 : i32
        %swap3A_461 = arith.index_cast %swap3A_460 : i32 to index
        %swap3A_462 = arith.index_cast %scan3A_402 : i32 to index
        %swap3A_463 = arith.constant 48 : index
        %swap3A_464 = tpu.vector_load %arg6[%swap3A_461, %swap3A_462, %swap3A_463] {strides = array<i32>} : memref<4x200x128xf32, #tpu.memory_space<vmem>>, vector<1x1x16xf32>,
        %swap3A_465 = vector.shape_cast %swap3A_464 : vector<1x1x16xf32> to vector<16xf32>
        %swap3A_466 = vector.shape_cast %mul3A_459 : vector<16xf32> to vector<1x1x16xf32>
        tpu.vector_store %arg6[%swap3A_461, %swap3A_462, %swap3A_463], %swap3A_466 {strides = array<i32>} : memref<4x200x128xf32, #tpu.memory_space<vmem>>, vector<1x1x16xf32>,
        %get3A_467 = arith.constant 1 : i32
        %get3A_468 = arith.index_cast %get3A_467 : i32 to index
        %get3A_469 = arith.index_cast %scan3A_402 : i32 to index
        %get3A_470 = arith.constant 64 : index
        %get3A_471 = tpu.vector_load %arg6[%get3A_468, %get3A_469, %get3A_470] {strides = array<i32>} : memref<4x200x128xf32, #tpu.memory_space<vmem>>, vector<1x1x16xf32>,
        %get3A_472 = vector.shape_cast %get3A_471 : vector<1x1x16xf32> to vector<16xf32>
        %mul3A_473 = arith.constant 11.3137083 : f32
        %mul3A_474 = vector.broadcast %mul3A_473 : f32 to vector<16xf32>
        %mul3A_475 = arith.mulf %get3A_472, %mul3A_474 : vector<16xf32>
        %swap3A_476 = arith.constant 1 : i32
        %swap3A_477 = arith.index_cast %swap3A_476 : i32 to index
        %swap3A_478 = arith.index_cast %scan3A_402 : i32 to index
        %swap3A_479 = arith.constant 64 : index
        %swap3A_480 = tpu.vector_load %arg6[%swap3A_477, %swap3A_478, %swap3A_479] {strides = array<i32>} : memref<4x200x128xf32, #tpu.memory_space<vmem>>, vector<1x1x16xf32>,
        %swap3A_481 = vector.shape_cast %swap3A_480 : vector<1x1x16xf32> to vector<16xf32>
        %swap3A_482 = vector.shape_cast %mul3A_475 : vector<16xf32> to vector<1x1x16xf32>
        tpu.vector_store %arg6[%swap3A_477, %swap3A_478, %swap3A_479], %swap3A_482 {strides = array<i32>} : memref<4x200x128xf32, #tpu.memory_space<vmem>>, vector<1x1x16xf32>,
        %get3A_483 = arith.constant 1 : i32
        %get3A_484 = arith.index_cast %get3A_483 : i32 to index
        %get3A_485 = arith.index_cast %scan3A_402 : i32 to index
        %get3A_486 = arith.constant 80 : index
        %get3A_487 = tpu.vector_load %arg6[%get3A_484, %get3A_485, %get3A_486] {strides = array<i32>} : memref<4x200x128xf32, #tpu.memory_space<vmem>>, vector<1x1x16xf32>,
        %get3A_488 = vector.shape_cast %get3A_487 : vector<1x1x16xf32> to vector<16xf32>
        %mul3A_489 = arith.constant 11.3137083 : f32
        %mul3A_490 = vector.broadcast %mul3A_489 : f32 to vector<16xf32>
        %mul3A_491 = arith.mulf %get3A_488, %mul3A_490 : vector<16xf32>
        %swap3A_492 = arith.constant 1 : i32
        %swap3A_493 = arith.index_cast %swap3A_492 : i32 to index
        %swap3A_494 = arith.index_cast %scan3A_402 : i32 to index
        %swap3A_495 = arith.constant 80 : index
        %swap3A_496 = tpu.vector_load %arg6[%swap3A_493, %swap3A_494, %swap3A_495] {strides = array<i32>} : memref<4x200x128xf32, #tpu.memory_space<vmem>>, vector<1x1x16xf32>,
        %swap3A_497 = vector.shape_cast %swap3A_496 : vector<1x1x16xf32> to vector<16xf32>
        %swap3A_498 = vector.shape_cast %mul3A_491 : vector<16xf32> to vector<1x1x16xf32>
        tpu.vector_store %arg6[%swap3A_493, %swap3A_494, %swap3A_495], %swap3A_498 {strides = array<i32>} : memref<4x200x128xf32, #tpu.memory_space<vmem>>, vector<1x1x16xf32>,
        %get3A_499 = arith.constant 1 : i32
        %get3A_500 = arith.index_cast %get3A_499 : i32 to index
        %get3A_501 = arith.index_cast %scan3A_402 : i32 to index
        %get3A_502 = arith.constant 96 : index
        %get3A_503 = tpu.vector_load %arg6[%get3A_500, %get3A_501, %get3A_502] {strides = array<i32>} : memref<4x200x128xf32, #tpu.memory_space<vmem>>, vector<1x1x16xf32>,
        %get3A_504 = vector.shape_cast %get3A_503 : vector<1x1x16xf32> to vector<16xf32>
        %mul3A_505 = arith.constant 11.3137083 : f32
        %mul3A_506 = vector.broadcast %mul3A_505 : f32 to vector<16xf32>
        %mul3A_507 = arith.mulf %get3A_504, %mul3A_506 : vector<16xf32>
        %swap3A_508 = arith.constant 1 : i32
        %swap3A_509 = arith.index_cast %swap3A_508 : i32 to index
        %swap3A_510 = arith.index_cast %scan3A_402 : i32 to index
        %swap3A_511 = arith.constant 96 : index
        %swap3A_512 = tpu.vector_load %arg6[%swap3A_509, %swap3A_510, %swap3A_511] {strides = array<i32>} : memref<4x200x128xf32, #tpu.memory_space<vmem>>, vector<1x1x16xf32>,
        %swap3A_513 = vector.shape_cast %swap3A_512 : vector<1x1x16xf32> to vector<16xf32>
        %swap3A_514 = vector.shape_cast %mul3A_507 : vector<16xf32> to vector<1x1x16xf32>
        tpu.vector_store %arg6[%swap3A_509, %swap3A_510, %swap3A_511], %swap3A_514 {strides = array<i32>} : memref<4x200x128xf32, #tpu.memory_space<vmem>>, vector<1x1x16xf32>,
        %get3A_515 = arith.constant 1 : i32
        %get3A_516 = arith.index_cast %get3A_515 : i32 to index
        %get3A_517 = arith.index_cast %scan3A_402 : i32 to index
        %get3A_518 = arith.constant 112 : index
        %get3A_519 = tpu.vector_load %arg6[%get3A_516, %get3A_517, %get3A_518] {strides = array<i32>} : memref<4x200x128xf32, #tpu.memory_space<vmem>>, vector<1x1x16xf32>,
        %get3A_520 = vector.shape_cast %get3A_519 : vector<1x1x16xf32> to vector<16xf32>
        %mul3A_521 = arith.constant 11.3137083 : f32
        %mul3A_522 = vector.broadcast %mul3A_521 : f32 to vector<16xf32>
        %mul3A_523 = arith.mulf %get3A_520, %mul3A_522 : vector<16xf32>
        %swap3A_524 = arith.constant 1 : i32
        %swap3A_525 = arith.index_cast %swap3A_524 : i32 to index
        %swap3A_526 = arith.index_cast %scan3A_402 : i32 to index
        %swap3A_527 = arith.constant 112 : index
        %swap3A_528 = tpu.vector_load %arg6[%swap3A_525, %swap3A_526, %swap3A_527] {strides = array<i32>} : memref<4x200x128xf32, #tpu.memory_space<vmem>>, vector<1x1x16xf32>,
        %swap3A_529 = vector.shape_cast %swap3A_528 : vector<1x1x16xf32> to vector<16xf32>
        %swap3A_530 = vector.shape_cast %mul3A_523 : vector<16xf32> to vector<1x1x16xf32>
        tpu.vector_store %arg6[%swap3A_525, %swap3A_526, %swap3A_527], %swap3A_530 {strides = array<i32>} : memref<4x200x128xf32, #tpu.memory_space<vmem>>, vector<1x1x16xf32>,
      }
      %scan3A_167 = arith.constant 200 : i32
      %mul3A_168 = arith.constant 200 : i32
      %mul3A_169 = arith.muli %add3A_151, %mul3A_168 : i32
      %add3A_170 = arith.addi %mul3A_2, %mul3A_169 : i32
      %dma_start3A_171 = arith.constant 1 : i32
      %dma_start3A_172 = arith.constant 0 : i32
      %dma_start3A_173 = arith.constant 0 : i32
      %dma_start3A_174 = tpu.memref_slice %arg6[%dma_start3A_171, %dma_start3A_172, %dma_start3A_173] : memref<4x200x128xf32, #tpu.memory_space<vmem>> -> memref<1x200x128xf32, #tpu.memory_space<vmem>>
      %dma_start3A_175 = tpu.memref_squeeze %dma_start3A_174 : memref<1x200x128xf32, #tpu.memory_space<vmem>> -> memref<200x128xf32, #tpu.memory_space<vmem>>
      %dma_start3A_176 = arith.constant 0 : i32
      %dma_start3A_177 = tpu.memref_slice %arg4[%add3A_170, %dma_start3A_176] : memref<819200x128xf32, #tpu.memory_space<hbm>> -> memref<200x128xf32, #tpu.memory_space<hbm>>
      %dma_start3A_178 = arith.constant 0 : i32
      %dma_start3A_179 = tpu.memref_slice %arg4[%add3A_170, %dma_start3A_178] : memref<819200x128xf32, #tpu.memory_space<hbm>> -> memref<200x128xf32, #tpu.memory_space<hbm>>
      %dma_start3A_180 = arith.constant 0 : i32
      %dma_start3A_181 = arith.constant 0 : i32
      %dma_start3A_182 = tpu.memref_slice %arg6[%dma_start3A_171, %dma_start3A_180, %dma_start3A_181] : memref<4x200x128xf32, #tpu.memory_space<vmem>> -> memref<1x200x128xf32, #tpu.memory_space<vmem>>
      %dma_start3A_183 = tpu.memref_squeeze %dma_start3A_182 : memref<1x200x128xf32, #tpu.memory_space<vmem>> -> memref<200x128xf32, #tpu.memory_space<vmem>>
      tpu.enqueue_dma source(%dma_start3A_183 : memref<200x128xf32, #tpu.memory_space<vmem>>) target(%dma_start3A_179 : memref<200x128xf32, #tpu.memory_space<hbm>>) target_semaphore(%arg12 : memref<!tpu.dma_semaphore, #tpu.memory_space<semaphore_mem>>)
      %add3A_184 = arith.constant 2 : i32
      %add3A_185 = arith.addi %mul3A_97, %add3A_184 : i32
      %add3A_186 = arith.constant 4 : i32
      %add3A_187 = arith.addi %add3A_185, %add3A_186 : i32
      %sub3A_188 = arith.constant 1 : i32
      %sub3A_189 = arith.subi %add3A_187, %sub3A_188 : i32
      %lt3A_190 = arith.constant 128 : i32
      %lt3A_191 = arith.cmpi slt, %sub3A_189, %lt3A_190 : i32
      %convert_element_type3A_192 = arith.extui %lt3A_191 : i1 to i32
      %cond3A_193 = arith.constant 0 : i32
      %cond3A_194 = arith.cmpi ne, %convert_element_type3A_192, %cond3A_193 : i32
      scf.if %cond3A_194 {
        %ge3A = arith.constant 4 : i32
        %ge3A_274 = arith.cmpi sge, %sub3A_189, %ge3A : i32
        %convert_element_type3A_275 = arith.extui %ge3A_274 : i1 to i32
        %cond3A_276 = arith.constant 0 : i32
        %cond3A_277 = arith.cmpi ne, %convert_element_type3A_275, %cond3A_276 : i32
        scf.if %cond3A_277 {
          %sub3A_289 = arith.constant 4 : i32
          %sub3A_290 = arith.subi %sub3A_189, %sub3A_289 : i32
          %mul3A_291 = arith.constant 200 : i32
          %mul3A_292 = arith.muli %sub3A_290, %mul3A_291 : i32
          %add3A_293 = arith.addi %mul3A_2, %mul3A_292 : i32
          %dma_wait3A_294 = arith.constant 1 : i32
          %dma_wait3A_295 = arith.constant 0 : i32
          %dma_wait3A_296 = arith.constant 0 : i32
          %dma_wait3A_297 = tpu.memref_slice %arg6[%dma_wait3A_294, %dma_wait3A_295, %dma_wait3A_296] : memref<4x200x128xf32, #tpu.memory_space<vmem>> -> memref<1x200x128xf32, #tpu.memory_space<vmem>>
          %dma_wait3A_298 = tpu.memref_squeeze %dma_wait3A_297 : memref<1x200x128xf32, #tpu.memory_space<vmem>> -> memref<200x128xf32, #tpu.memory_space<vmem>>
          %dma_wait3A_299 = arith.constant 0 : i32
          %dma_wait3A_300 = tpu.memref_slice %arg4[%add3A_293, %dma_wait3A_299] : memref<819200x128xf32, #tpu.memory_space<hbm>> -> memref<200x128xf32, #tpu.memory_space<hbm>>
          %dma_wait3A_301 = arith.constant 0 : i32
          %dma_wait3A_302 = tpu.memref_slice %arg4[%add3A_293, %dma_wait3A_301] : memref<819200x128xf32, #tpu.memory_space<hbm>> -> memref<200x128xf32, #tpu.memory_space<hbm>>
          %dma_wait3A_303 = arith.constant 0 : i32
          %dma_wait3A_304 = arith.constant 0 : i32
          %dma_wait3A_305 = tpu.memref_slice %arg6[%dma_wait3A_294, %dma_wait3A_303, %dma_wait3A_304] : memref<4x200x128xf32, #tpu.memory_space<vmem>> -> memref<1x200x128xf32, #tpu.memory_space<vmem>>
          %dma_wait3A_306 = tpu.memref_squeeze %dma_wait3A_305 : memref<1x200x128xf32, #tpu.memory_space<vmem>> -> memref<200x128xf32, #tpu.memory_space<vmem>>
          tpu.wait_dma2 semaphore(%arg12 : memref<!tpu.dma_semaphore, #tpu.memory_space<semaphore_mem>>) src(%dma_wait3A_306 : memref<200x128xf32, #tpu.memory_space<vmem>>) dst(%dma_wait3A_302 : memref<200x128xf32, #tpu.memory_space<hbm>>)
        } else {
        }
        %mul3A_278 = arith.constant 200 : i32
        %mul3A_279 = arith.muli %sub3A_189, %mul3A_278 : i32
        %dma_start3A_280 = arith.constant 1 : i32
        %dma_start3A_281 = arith.constant 0 : i32
        %dma_start3A_282 = arith.constant 0 : i32
        %dma_start3A_283 = tpu.memref_slice %arg6[%dma_start3A_280, %dma_start3A_281, %dma_start3A_282] : memref<4x200x128xf32, #tpu.memory_space<vmem>> -> memref<1x200x128xf32, #tpu.memory_space<vmem>>
        %dma_start3A_284 = tpu.memref_squeeze %dma_start3A_283 : memref<1x200x128xf32, #tpu.memory_space<vmem>> -> memref<200x128xf32, #tpu.memory_space<vmem>>
        %dma_start3A_285 = tpu.memref_slice %arg5[%mul3A_279] : memref<25600xi32, #tpu.memory_space<vmem>> -> memref<200xi32, #tpu.memory_space<vmem>>
        %dma_start3A_286 = arith.constant 0 : i32
        %dma_start3A_287 = arith.constant 0 : i32
        %dma_start3A_288 = tpu.memref_slice %arg2[%dma_start3A_286, %dma_start3A_287] : memref<100000x128xf32, #tpu.memory_space<hbm>> -> memref<100000x128xf32, #tpu.memory_space<hbm>>
        tpu.enqueue_indirect_dma source(%dma_start3A_288 : memref<100000x128xf32, #tpu.memory_space<hbm>>) target(%dma_start3A_284 : memref<200x128xf32, #tpu.memory_space<vmem>>) offsets(%dma_start3A_285 : memref<200xi32, #tpu.memory_space<vmem>>) semaphore(%arg8 : memref<!tpu.dma_semaphore, #tpu.memory_space<semaphore_mem>>)
      } else {
      }
      %add3A_195 = arith.constant 2 : i32
      %add3A_196 = arith.addi %mul3A_97, %add3A_195 : i32
      %mul3A_197 = arith.constant 200 : i32
      %mul3A_198 = arith.muli %add3A_196, %mul3A_197 : i32
      %dma_wait3A_199 = arith.constant 2 : i32
      %dma_wait3A_200 = arith.constant 0 : i32
      %dma_wait3A_201 = arith.constant 0 : i32
      %dma_wait3A_202 = tpu.memref_slice %arg6[%dma_wait3A_199, %dma_wait3A_200, %dma_wait3A_201] : memref<4x200x128xf32, #tpu.memory_space<vmem>> -> memref<1x200x128xf32, #tpu.memory_space<vmem>>
      %dma_wait3A_203 = tpu.memref_squeeze %dma_wait3A_202 : memref<1x200x128xf32, #tpu.memory_space<vmem>> -> memref<200x128xf32, #tpu.memory_space<vmem>>
      %dma_wait3A_204 = tpu.memref_slice %arg5[%mul3A_198] : memref<25600xi32, #tpu.memory_space<vmem>> -> memref<200xi32, #tpu.memory_space<vmem>>
      %dma_wait3A_205 = arith.constant 0 : i32
      %dma_wait3A_206 = arith.constant 0 : i32
      %dma_wait3A_207 = tpu.memref_slice %arg2[%dma_wait3A_205, %dma_wait3A_206] : memref<100000x128xf32, #tpu.memory_space<hbm>> -> memref<100000x128xf32, #tpu.memory_space<hbm>>
      tpu.wait_indirect_dma semaphore(%arg9 : memref<!tpu.dma_semaphore, #tpu.memory_space<semaphore_mem>>) src(%dma_wait3A_207 : memref<100000x128xf32, #tpu.memory_space<hbm>>) dst(%dma_wait3A_203 : memref<200x128xf32, #tpu.memory_space<vmem>>)
      %scan3A_208 = arith.constant 0 : i32
      %scan3A_209 = arith.constant 200 : i32
      %scan3A_210 = arith.addi %scan3A_208, %scan3A_209 : i32
      %scan3A_211 = arith.constant 2 : i32
      scf.for %scan3A_274 = %scan3A_208 to %scan3A_210 step %scan3A_211  : i32 {
        %get3A = arith.constant 2 : i32
        %get3A_275 = arith.index_cast %get3A : i32 to index
        %get3A_276 = arith.index_cast %scan3A_274 : i32 to index
        %get3A_277 = arith.constant 0 : index
        %get3A_278 = tpu.vector_load %arg6[%get3A_275, %get3A_276, %get3A_277] {strides = array<i32>} : memref<4x200x128xf32, #tpu.memory_space<vmem>>, vector<1x1x16xf32>,
        %get3A_279 = vector.shape_cast %get3A_278 : vector<1x1x16xf32> to vector<16xf32>
        %mul3A_280 = arith.constant 11.3137083 : f32
        %mul3A_281 = vector.broadcast %mul3A_280 : f32 to vector<16xf32>
        %mul3A_282 = arith.mulf %get3A_279, %mul3A_281 : vector<16xf32>
        %swap3A = arith.constant 2 : i32
        %swap3A_283 = arith.index_cast %swap3A : i32 to index
        %swap3A_284 = arith.index_cast %scan3A_274 : i32 to index
        %swap3A_285 = arith.constant 0 : index
        %swap3A_286 = tpu.vector_load %arg6[%swap3A_283, %swap3A_284, %swap3A_285] {strides = array<i32>} : memref<4x200x128xf32, #tpu.memory_space<vmem>>, vector<1x1x16xf32>,
        %swap3A_287 = vector.shape_cast %swap3A_286 : vector<1x1x16xf32> to vector<16xf32>
        %swap3A_288 = vector.shape_cast %mul3A_282 : vector<16xf32> to vector<1x1x16xf32>
        tpu.vector_store %arg6[%swap3A_283, %swap3A_284, %swap3A_285], %swap3A_288 {strides = array<i32>} : memref<4x200x128xf32, #tpu.memory_space<vmem>>, vector<1x1x16xf32>,
        %get3A_289 = arith.constant 2 : i32
        %get3A_290 = arith.index_cast %get3A_289 : i32 to index
        %get3A_291 = arith.index_cast %scan3A_274 : i32 to index
        %get3A_292 = arith.constant 16 : index
        %get3A_293 = tpu.vector_load %arg6[%get3A_290, %get3A_291, %get3A_292] {strides = array<i32>} : memref<4x200x128xf32, #tpu.memory_space<vmem>>, vector<1x1x16xf32>,
        %get3A_294 = vector.shape_cast %get3A_293 : vector<1x1x16xf32> to vector<16xf32>
        %mul3A_295 = arith.constant 11.3137083 : f32
        %mul3A_296 = vector.broadcast %mul3A_295 : f32 to vector<16xf32>
        %mul3A_297 = arith.mulf %get3A_294, %mul3A_296 : vector<16xf32>
        %swap3A_298 = arith.constant 2 : i32
        %swap3A_299 = arith.index_cast %swap3A_298 : i32 to index
        %swap3A_300 = arith.index_cast %scan3A_274 : i32 to index
        %swap3A_301 = arith.constant 16 : index
        %swap3A_302 = tpu.vector_load %arg6[%swap3A_299, %swap3A_300, %swap3A_301] {strides = array<i32>} : memref<4x200x128xf32, #tpu.memory_space<vmem>>, vector<1x1x16xf32>,
        %swap3A_303 = vector.shape_cast %swap3A_302 : vector<1x1x16xf32> to vector<16xf32>
        %swap3A_304 = vector.shape_cast %mul3A_297 : vector<16xf32> to vector<1x1x16xf32>
        tpu.vector_store %arg6[%swap3A_299, %swap3A_300, %swap3A_301], %swap3A_304 {strides = array<i32>} : memref<4x200x128xf32, #tpu.memory_space<vmem>>, vector<1x1x16xf32>,
        %get3A_305 = arith.constant 2 : i32
        %get3A_306 = arith.index_cast %get3A_305 : i32 to index
        %get3A_307 = arith.index_cast %scan3A_274 : i32 to index
        %get3A_308 = arith.constant 32 : index
        %get3A_309 = tpu.vector_load %arg6[%get3A_306, %get3A_307, %get3A_308] {strides = array<i32>} : memref<4x200x128xf32, #tpu.memory_space<vmem>>, vector<1x1x16xf32>,
        %get3A_310 = vector.shape_cast %get3A_309 : vector<1x1x16xf32> to vector<16xf32>
        %mul3A_311 = arith.constant 11.3137083 : f32
        %mul3A_312 = vector.broadcast %mul3A_311 : f32 to vector<16xf32>
        %mul3A_313 = arith.mulf %get3A_310, %mul3A_312 : vector<16xf32>
        %swap3A_314 = arith.constant 2 : i32
        %swap3A_315 = arith.index_cast %swap3A_314 : i32 to index
        %swap3A_316 = arith.index_cast %scan3A_274 : i32 to index
        %swap3A_317 = arith.constant 32 : index
        %swap3A_318 = tpu.vector_load %arg6[%swap3A_315, %swap3A_316, %swap3A_317] {strides = array<i32>} : memref<4x200x128xf32, #tpu.memory_space<vmem>>, vector<1x1x16xf32>,
        %swap3A_319 = vector.shape_cast %swap3A_318 : vector<1x1x16xf32> to vector<16xf32>
        %swap3A_320 = vector.shape_cast %mul3A_313 : vector<16xf32> to vector<1x1x16xf32>
        tpu.vector_store %arg6[%swap3A_315, %swap3A_316, %swap3A_317], %swap3A_320 {strides = array<i32>} : memref<4x200x128xf32, #tpu.memory_space<vmem>>, vector<1x1x16xf32>,
        %get3A_321 = arith.constant 2 : i32
        %get3A_322 = arith.index_cast %get3A_321 : i32 to index
        %get3A_323 = arith.index_cast %scan3A_274 : i32 to index
        %get3A_324 = arith.constant 48 : index
        %get3A_325 = tpu.vector_load %arg6[%get3A_322, %get3A_323, %get3A_324] {strides = array<i32>} : memref<4x200x128xf32, #tpu.memory_space<vmem>>, vector<1x1x16xf32>,
        %get3A_326 = vector.shape_cast %get3A_325 : vector<1x1x16xf32> to vector<16xf32>
        %mul3A_327 = arith.constant 11.3137083 : f32
        %mul3A_328 = vector.broadcast %mul3A_327 : f32 to vector<16xf32>
        %mul3A_329 = arith.mulf %get3A_326, %mul3A_328 : vector<16xf32>
        %swap3A_330 = arith.constant 2 : i32
        %swap3A_331 = arith.index_cast %swap3A_330 : i32 to index
        %swap3A_332 = arith.index_cast %scan3A_274 : i32 to index
        %swap3A_333 = arith.constant 48 : index
        %swap3A_334 = tpu.vector_load %arg6[%swap3A_331, %swap3A_332, %swap3A_333] {strides = array<i32>} : memref<4x200x128xf32, #tpu.memory_space<vmem>>, vector<1x1x16xf32>,
        %swap3A_335 = vector.shape_cast %swap3A_334 : vector<1x1x16xf32> to vector<16xf32>
        %swap3A_336 = vector.shape_cast %mul3A_329 : vector<16xf32> to vector<1x1x16xf32>
        tpu.vector_store %arg6[%swap3A_331, %swap3A_332, %swap3A_333], %swap3A_336 {strides = array<i32>} : memref<4x200x128xf32, #tpu.memory_space<vmem>>, vector<1x1x16xf32>,
        %get3A_337 = arith.constant 2 : i32
        %get3A_338 = arith.index_cast %get3A_337 : i32 to index
        %get3A_339 = arith.index_cast %scan3A_274 : i32 to index
        %get3A_340 = arith.constant 64 : index
        %get3A_341 = tpu.vector_load %arg6[%get3A_338, %get3A_339, %get3A_340] {strides = array<i32>} : memref<4x200x128xf32, #tpu.memory_space<vmem>>, vector<1x1x16xf32>,
        %get3A_342 = vector.shape_cast %get3A_341 : vector<1x1x16xf32> to vector<16xf32>
        %mul3A_343 = arith.constant 11.3137083 : f32
        %mul3A_344 = vector.broadcast %mul3A_343 : f32 to vector<16xf32>
        %mul3A_345 = arith.mulf %get3A_342, %mul3A_344 : vector<16xf32>
        %swap3A_346 = arith.constant 2 : i32
        %swap3A_347 = arith.index_cast %swap3A_346 : i32 to index
        %swap3A_348 = arith.index_cast %scan3A_274 : i32 to index
        %swap3A_349 = arith.constant 64 : index
        %swap3A_350 = tpu.vector_load %arg6[%swap3A_347, %swap3A_348, %swap3A_349] {strides = array<i32>} : memref<4x200x128xf32, #tpu.memory_space<vmem>>, vector<1x1x16xf32>,
        %swap3A_351 = vector.shape_cast %swap3A_350 : vector<1x1x16xf32> to vector<16xf32>
        %swap3A_352 = vector.shape_cast %mul3A_345 : vector<16xf32> to vector<1x1x16xf32>
        tpu.vector_store %arg6[%swap3A_347, %swap3A_348, %swap3A_349], %swap3A_352 {strides = array<i32>} : memref<4x200x128xf32, #tpu.memory_space<vmem>>, vector<1x1x16xf32>,
        %get3A_353 = arith.constant 2 : i32
        %get3A_354 = arith.index_cast %get3A_353 : i32 to index
        %get3A_355 = arith.index_cast %scan3A_274 : i32 to index
        %get3A_356 = arith.constant 80 : index
        %get3A_357 = tpu.vector_load %arg6[%get3A_354, %get3A_355, %get3A_356] {strides = array<i32>} : memref<4x200x128xf32, #tpu.memory_space<vmem>>, vector<1x1x16xf32>,
        %get3A_358 = vector.shape_cast %get3A_357 : vector<1x1x16xf32> to vector<16xf32>
        %mul3A_359 = arith.constant 11.3137083 : f32
        %mul3A_360 = vector.broadcast %mul3A_359 : f32 to vector<16xf32>
        %mul3A_361 = arith.mulf %get3A_358, %mul3A_360 : vector<16xf32>
        %swap3A_362 = arith.constant 2 : i32
        %swap3A_363 = arith.index_cast %swap3A_362 : i32 to index
        %swap3A_364 = arith.index_cast %scan3A_274 : i32 to index
        %swap3A_365 = arith.constant 80 : index
        %swap3A_366 = tpu.vector_load %arg6[%swap3A_363, %swap3A_364, %swap3A_365] {strides = array<i32>} : memref<4x200x128xf32, #tpu.memory_space<vmem>>, vector<1x1x16xf32>,
        %swap3A_367 = vector.shape_cast %swap3A_366 : vector<1x1x16xf32> to vector<16xf32>
        %swap3A_368 = vector.shape_cast %mul3A_361 : vector<16xf32> to vector<1x1x16xf32>
        tpu.vector_store %arg6[%swap3A_363, %swap3A_364, %swap3A_365], %swap3A_368 {strides = array<i32>} : memref<4x200x128xf32, #tpu.memory_space<vmem>>, vector<1x1x16xf32>,
        %get3A_369 = arith.constant 2 : i32
        %get3A_370 = arith.index_cast %get3A_369 : i32 to index
        %get3A_371 = arith.index_cast %scan3A_274 : i32 to index
        %get3A_372 = arith.constant 96 : index
        %get3A_373 = tpu.vector_load %arg6[%get3A_370, %get3A_371, %get3A_372] {strides = array<i32>} : memref<4x200x128xf32, #tpu.memory_space<vmem>>, vector<1x1x16xf32>,
        %get3A_374 = vector.shape_cast %get3A_373 : vector<1x1x16xf32> to vector<16xf32>
        %mul3A_375 = arith.constant 11.3137083 : f32
        %mul3A_376 = vector.broadcast %mul3A_375 : f32 to vector<16xf32>
        %mul3A_377 = arith.mulf %get3A_374, %mul3A_376 : vector<16xf32>
        %swap3A_378 = arith.constant 2 : i32
        %swap3A_379 = arith.index_cast %swap3A_378 : i32 to index
        %swap3A_380 = arith.index_cast %scan3A_274 : i32 to index
        %swap3A_381 = arith.constant 96 : index
        %swap3A_382 = tpu.vector_load %arg6[%swap3A_379, %swap3A_380, %swap3A_381] {strides = array<i32>} : memref<4x200x128xf32, #tpu.memory_space<vmem>>, vector<1x1x16xf32>,
        %swap3A_383 = vector.shape_cast %swap3A_382 : vector<1x1x16xf32> to vector<16xf32>
        %swap3A_384 = vector.shape_cast %mul3A_377 : vector<16xf32> to vector<1x1x16xf32>
        tpu.vector_store %arg6[%swap3A_379, %swap3A_380, %swap3A_381], %swap3A_384 {strides = array<i32>} : memref<4x200x128xf32, #tpu.memory_space<vmem>>, vector<1x1x16xf32>,
        %get3A_385 = arith.constant 2 : i32
        %get3A_386 = arith.index_cast %get3A_385 : i32 to index
        %get3A_387 = arith.index_cast %scan3A_274 : i32 to index
        %get3A_388 = arith.constant 112 : index
        %get3A_389 = tpu.vector_load %arg6[%get3A_386, %get3A_387, %get3A_388] {strides = array<i32>} : memref<4x200x128xf32, #tpu.memory_space<vmem>>, vector<1x1x16xf32>,
        %get3A_390 = vector.shape_cast %get3A_389 : vector<1x1x16xf32> to vector<16xf32>
        %mul3A_391 = arith.constant 11.3137083 : f32
        %mul3A_392 = vector.broadcast %mul3A_391 : f32 to vector<16xf32>
        %mul3A_393 = arith.mulf %get3A_390, %mul3A_392 : vector<16xf32>
        %swap3A_394 = arith.constant 2 : i32
        %swap3A_395 = arith.index_cast %swap3A_394 : i32 to index
        %swap3A_396 = arith.index_cast %scan3A_274 : i32 to index
        %swap3A_397 = arith.constant 112 : index
        %swap3A_398 = tpu.vector_load %arg6[%swap3A_395, %swap3A_396, %swap3A_397] {strides = array<i32>} : memref<4x200x128xf32, #tpu.memory_space<vmem>>, vector<1x1x16xf32>,
        %swap3A_399 = vector.shape_cast %swap3A_398 : vector<1x1x16xf32> to vector<16xf32>
        %swap3A_400 = vector.shape_cast %mul3A_393 : vector<16xf32> to vector<1x1x16xf32>
        tpu.vector_store %arg6[%swap3A_395, %swap3A_396, %swap3A_397], %swap3A_400 {strides = array<i32>} : memref<4x200x128xf32, #tpu.memory_space<vmem>>, vector<1x1x16xf32>,
        %scan3A_401 = arith.constant 1 : i32
        %scan3A_402 = arith.addi %scan3A_274, %scan3A_401 : i32
        %get3A_403 = arith.constant 2 : i32
        %get3A_404 = arith.index_cast %get3A_403 : i32 to index
        %get3A_405 = arith.index_cast %scan3A_402 : i32 to index
        %get3A_406 = arith.constant 0 : index
        %get3A_407 = tpu.vector_load %arg6[%get3A_404, %get3A_405, %get3A_406] {strides = array<i32>} : memref<4x200x128xf32, #tpu.memory_space<vmem>>, vector<1x1x16xf32>,
        %get3A_408 = vector.shape_cast %get3A_407 : vector<1x1x16xf32> to vector<16xf32>
        %mul3A_409 = arith.constant 11.3137083 : f32
        %mul3A_410 = vector.broadcast %mul3A_409 : f32 to vector<16xf32>
        %mul3A_411 = arith.mulf %get3A_408, %mul3A_410 : vector<16xf32>
        %swap3A_412 = arith.constant 2 : i32
        %swap3A_413 = arith.index_cast %swap3A_412 : i32 to index
        %swap3A_414 = arith.index_cast %scan3A_402 : i32 to index
        %swap3A_415 = arith.constant 0 : index
        %swap3A_416 = tpu.vector_load %arg6[%swap3A_413, %swap3A_414, %swap3A_415] {strides = array<i32>} : memref<4x200x128xf32, #tpu.memory_space<vmem>>, vector<1x1x16xf32>,
        %swap3A_417 = vector.shape_cast %swap3A_416 : vector<1x1x16xf32> to vector<16xf32>
        %swap3A_418 = vector.shape_cast %mul3A_411 : vector<16xf32> to vector<1x1x16xf32>
        tpu.vector_store %arg6[%swap3A_413, %swap3A_414, %swap3A_415], %swap3A_418 {strides = array<i32>} : memref<4x200x128xf32, #tpu.memory_space<vmem>>, vector<1x1x16xf32>,
        %get3A_419 = arith.constant 2 : i32
        %get3A_420 = arith.index_cast %get3A_419 : i32 to index
        %get3A_421 = arith.index_cast %scan3A_402 : i32 to index
        %get3A_422 = arith.constant 16 : index
        %get3A_423 = tpu.vector_load %arg6[%get3A_420, %get3A_421, %get3A_422] {strides = array<i32>} : memref<4x200x128xf32, #tpu.memory_space<vmem>>, vector<1x1x16xf32>,
        %get3A_424 = vector.shape_cast %get3A_423 : vector<1x1x16xf32> to vector<16xf32>
        %mul3A_425 = arith.constant 11.3137083 : f32
        %mul3A_426 = vector.broadcast %mul3A_425 : f32 to vector<16xf32>
        %mul3A_427 = arith.mulf %get3A_424, %mul3A_426 : vector<16xf32>
        %swap3A_428 = arith.constant 2 : i32
        %swap3A_429 = arith.index_cast %swap3A_428 : i32 to index
        %swap3A_430 = arith.index_cast %scan3A_402 : i32 to index
        %swap3A_431 = arith.constant 16 : index
        %swap3A_432 = tpu.vector_load %arg6[%swap3A_429, %swap3A_430, %swap3A_431] {strides = array<i32>} : memref<4x200x128xf32, #tpu.memory_space<vmem>>, vector<1x1x16xf32>,
        %swap3A_433 = vector.shape_cast %swap3A_432 : vector<1x1x16xf32> to vector<16xf32>
        %swap3A_434 = vector.shape_cast %mul3A_427 : vector<16xf32> to vector<1x1x16xf32>
        tpu.vector_store %arg6[%swap3A_429, %swap3A_430, %swap3A_431], %swap3A_434 {strides = array<i32>} : memref<4x200x128xf32, #tpu.memory_space<vmem>>, vector<1x1x16xf32>,
        %get3A_435 = arith.constant 2 : i32
        %get3A_436 = arith.index_cast %get3A_435 : i32 to index
        %get3A_437 = arith.index_cast %scan3A_402 : i32 to index
        %get3A_438 = arith.constant 32 : index
        %get3A_439 = tpu.vector_load %arg6[%get3A_436, %get3A_437, %get3A_438] {strides = array<i32>} : memref<4x200x128xf32, #tpu.memory_space<vmem>>, vector<1x1x16xf32>,
        %get3A_440 = vector.shape_cast %get3A_439 : vector<1x1x16xf32> to vector<16xf32>
        %mul3A_441 = arith.constant 11.3137083 : f32
        %mul3A_442 = vector.broadcast %mul3A_441 : f32 to vector<16xf32>
        %mul3A_443 = arith.mulf %get3A_440, %mul3A_442 : vector<16xf32>
        %swap3A_444 = arith.constant 2 : i32
        %swap3A_445 = arith.index_cast %swap3A_444 : i32 to index
        %swap3A_446 = arith.index_cast %scan3A_402 : i32 to index
        %swap3A_447 = arith.constant 32 : index
        %swap3A_448 = tpu.vector_load %arg6[%swap3A_445, %swap3A_446, %swap3A_447] {strides = array<i32>} : memref<4x200x128xf32, #tpu.memory_space<vmem>>, vector<1x1x16xf32>,
        %swap3A_449 = vector.shape_cast %swap3A_448 : vector<1x1x16xf32> to vector<16xf32>
        %swap3A_450 = vector.shape_cast %mul3A_443 : vector<16xf32> to vector<1x1x16xf32>
        tpu.vector_store %arg6[%swap3A_445, %swap3A_446, %swap3A_447], %swap3A_450 {strides = array<i32>} : memref<4x200x128xf32, #tpu.memory_space<vmem>>, vector<1x1x16xf32>,
        %get3A_451 = arith.constant 2 : i32
        %get3A_452 = arith.index_cast %get3A_451 : i32 to index
        %get3A_453 = arith.index_cast %scan3A_402 : i32 to index
        %get3A_454 = arith.constant 48 : index
        %get3A_455 = tpu.vector_load %arg6[%get3A_452, %get3A_453, %get3A_454] {strides = array<i32>} : memref<4x200x128xf32, #tpu.memory_space<vmem>>, vector<1x1x16xf32>,
        %get3A_456 = vector.shape_cast %get3A_455 : vector<1x1x16xf32> to vector<16xf32>
        %mul3A_457 = arith.constant 11.3137083 : f32
        %mul3A_458 = vector.broadcast %mul3A_457 : f32 to vector<16xf32>
        %mul3A_459 = arith.mulf %get3A_456, %mul3A_458 : vector<16xf32>
        %swap3A_460 = arith.constant 2 : i32
        %swap3A_461 = arith.index_cast %swap3A_460 : i32 to index
        %swap3A_462 = arith.index_cast %scan3A_402 : i32 to index
        %swap3A_463 = arith.constant 48 : index
        %swap3A_464 = tpu.vector_load %arg6[%swap3A_461, %swap3A_462, %swap3A_463] {strides = array<i32>} : memref<4x200x128xf32, #tpu.memory_space<vmem>>, vector<1x1x16xf32>,
        %swap3A_465 = vector.shape_cast %swap3A_464 : vector<1x1x16xf32> to vector<16xf32>
        %swap3A_466 = vector.shape_cast %mul3A_459 : vector<16xf32> to vector<1x1x16xf32>
        tpu.vector_store %arg6[%swap3A_461, %swap3A_462, %swap3A_463], %swap3A_466 {strides = array<i32>} : memref<4x200x128xf32, #tpu.memory_space<vmem>>, vector<1x1x16xf32>,
        %get3A_467 = arith.constant 2 : i32
        %get3A_468 = arith.index_cast %get3A_467 : i32 to index
        %get3A_469 = arith.index_cast %scan3A_402 : i32 to index
        %get3A_470 = arith.constant 64 : index
        %get3A_471 = tpu.vector_load %arg6[%get3A_468, %get3A_469, %get3A_470] {strides = array<i32>} : memref<4x200x128xf32, #tpu.memory_space<vmem>>, vector<1x1x16xf32>,
        %get3A_472 = vector.shape_cast %get3A_471 : vector<1x1x16xf32> to vector<16xf32>
        %mul3A_473 = arith.constant 11.3137083 : f32
        %mul3A_474 = vector.broadcast %mul3A_473 : f32 to vector<16xf32>
        %mul3A_475 = arith.mulf %get3A_472, %mul3A_474 : vector<16xf32>
        %swap3A_476 = arith.constant 2 : i32
        %swap3A_477 = arith.index_cast %swap3A_476 : i32 to index
        %swap3A_478 = arith.index_cast %scan3A_402 : i32 to index
        %swap3A_479 = arith.constant 64 : index
        %swap3A_480 = tpu.vector_load %arg6[%swap3A_477, %swap3A_478, %swap3A_479] {strides = array<i32>} : memref<4x200x128xf32, #tpu.memory_space<vmem>>, vector<1x1x16xf32>,
        %swap3A_481 = vector.shape_cast %swap3A_480 : vector<1x1x16xf32> to vector<16xf32>
        %swap3A_482 = vector.shape_cast %mul3A_475 : vector<16xf32> to vector<1x1x16xf32>
        tpu.vector_store %arg6[%swap3A_477, %swap3A_478, %swap3A_479], %swap3A_482 {strides = array<i32>} : memref<4x200x128xf32, #tpu.memory_space<vmem>>, vector<1x1x16xf32>,
        %get3A_483 = arith.constant 2 : i32
        %get3A_484 = arith.index_cast %get3A_483 : i32 to index
        %get3A_485 = arith.index_cast %scan3A_402 : i32 to index
        %get3A_486 = arith.constant 80 : index
        %get3A_487 = tpu.vector_load %arg6[%get3A_484, %get3A_485, %get3A_486] {strides = array<i32>} : memref<4x200x128xf32, #tpu.memory_space<vmem>>, vector<1x1x16xf32>,
        %get3A_488 = vector.shape_cast %get3A_487 : vector<1x1x16xf32> to vector<16xf32>
        %mul3A_489 = arith.constant 11.3137083 : f32
        %mul3A_490 = vector.broadcast %mul3A_489 : f32 to vector<16xf32>
        %mul3A_491 = arith.mulf %get3A_488, %mul3A_490 : vector<16xf32>
        %swap3A_492 = arith.constant 2 : i32
        %swap3A_493 = arith.index_cast %swap3A_492 : i32 to index
        %swap3A_494 = arith.index_cast %scan3A_402 : i32 to index
        %swap3A_495 = arith.constant 80 : index
        %swap3A_496 = tpu.vector_load %arg6[%swap3A_493, %swap3A_494, %swap3A_495] {strides = array<i32>} : memref<4x200x128xf32, #tpu.memory_space<vmem>>, vector<1x1x16xf32>,
        %swap3A_497 = vector.shape_cast %swap3A_496 : vector<1x1x16xf32> to vector<16xf32>
        %swap3A_498 = vector.shape_cast %mul3A_491 : vector<16xf32> to vector<1x1x16xf32>
        tpu.vector_store %arg6[%swap3A_493, %swap3A_494, %swap3A_495], %swap3A_498 {strides = array<i32>} : memref<4x200x128xf32, #tpu.memory_space<vmem>>, vector<1x1x16xf32>,
        %get3A_499 = arith.constant 2 : i32
        %get3A_500 = arith.index_cast %get3A_499 : i32 to index
        %get3A_501 = arith.index_cast %scan3A_402 : i32 to index
        %get3A_502 = arith.constant 96 : index
        %get3A_503 = tpu.vector_load %arg6[%get3A_500, %get3A_501, %get3A_502] {strides = array<i32>} : memref<4x200x128xf32, #tpu.memory_space<vmem>>, vector<1x1x16xf32>,
        %get3A_504 = vector.shape_cast %get3A_503 : vector<1x1x16xf32> to vector<16xf32>
        %mul3A_505 = arith.constant 11.3137083 : f32
        %mul3A_506 = vector.broadcast %mul3A_505 : f32 to vector<16xf32>
        %mul3A_507 = arith.mulf %get3A_504, %mul3A_506 : vector<16xf32>
        %swap3A_508 = arith.constant 2 : i32
        %swap3A_509 = arith.index_cast %swap3A_508 : i32 to index
        %swap3A_510 = arith.index_cast %scan3A_402 : i32 to index
        %swap3A_511 = arith.constant 96 : index
        %swap3A_512 = tpu.vector_load %arg6[%swap3A_509, %swap3A_510, %swap3A_511] {strides = array<i32>} : memref<4x200x128xf32, #tpu.memory_space<vmem>>, vector<1x1x16xf32>,
        %swap3A_513 = vector.shape_cast %swap3A_512 : vector<1x1x16xf32> to vector<16xf32>
        %swap3A_514 = vector.shape_cast %mul3A_507 : vector<16xf32> to vector<1x1x16xf32>
        tpu.vector_store %arg6[%swap3A_509, %swap3A_510, %swap3A_511], %swap3A_514 {strides = array<i32>} : memref<4x200x128xf32, #tpu.memory_space<vmem>>, vector<1x1x16xf32>,
        %get3A_515 = arith.constant 2 : i32
        %get3A_516 = arith.index_cast %get3A_515 : i32 to index
        %get3A_517 = arith.index_cast %scan3A_402 : i32 to index
        %get3A_518 = arith.constant 112 : index
        %get3A_519 = tpu.vector_load %arg6[%get3A_516, %get3A_517, %get3A_518] {strides = array<i32>} : memref<4x200x128xf32, #tpu.memory_space<vmem>>, vector<1x1x16xf32>,
        %get3A_520 = vector.shape_cast %get3A_519 : vector<1x1x16xf32> to vector<16xf32>
        %mul3A_521 = arith.constant 11.3137083 : f32
        %mul3A_522 = vector.broadcast %mul3A_521 : f32 to vector<16xf32>
        %mul3A_523 = arith.mulf %get3A_520, %mul3A_522 : vector<16xf32>
        %swap3A_524 = arith.constant 2 : i32
        %swap3A_525 = arith.index_cast %swap3A_524 : i32 to index
        %swap3A_526 = arith.index_cast %scan3A_402 : i32 to index
        %swap3A_527 = arith.constant 112 : index
        %swap3A_528 = tpu.vector_load %arg6[%swap3A_525, %swap3A_526, %swap3A_527] {strides = array<i32>} : memref<4x200x128xf32, #tpu.memory_space<vmem>>, vector<1x1x16xf32>,
        %swap3A_529 = vector.shape_cast %swap3A_528 : vector<1x1x16xf32> to vector<16xf32>
        %swap3A_530 = vector.shape_cast %mul3A_523 : vector<16xf32> to vector<1x1x16xf32>
        tpu.vector_store %arg6[%swap3A_525, %swap3A_526, %swap3A_527], %swap3A_530 {strides = array<i32>} : memref<4x200x128xf32, #tpu.memory_space<vmem>>, vector<1x1x16xf32>,
      }
      %scan3A_212 = arith.constant 200 : i32
      %mul3A_213 = arith.constant 200 : i32
      %mul3A_214 = arith.muli %add3A_196, %mul3A_213 : i32
      %add3A_215 = arith.addi %mul3A_2, %mul3A_214 : i32
      %dma_start3A_216 = arith.constant 2 : i32
      %dma_start3A_217 = arith.constant 0 : i32
      %dma_start3A_218 = arith.constant 0 : i32
      %dma_start3A_219 = tpu.memref_slice %arg6[%dma_start3A_216, %dma_start3A_217, %dma_start3A_218] : memref<4x200x128xf32, #tpu.memory_space<vmem>> -> memref<1x200x128xf32, #tpu.memory_space<vmem>>
      %dma_start3A_220 = tpu.memref_squeeze %dma_start3A_219 : memref<1x200x128xf32, #tpu.memory_space<vmem>> -> memref<200x128xf32, #tpu.memory_space<vmem>>
      %dma_start3A_221 = arith.constant 0 : i32
      %dma_start3A_222 = tpu.memref_slice %arg4[%add3A_215, %dma_start3A_221] : memref<819200x128xf32, #tpu.memory_space<hbm>> -> memref<200x128xf32, #tpu.memory_space<hbm>>
      %dma_start3A_223 = arith.constant 0 : i32
      %dma_start3A_224 = tpu.memref_slice %arg4[%add3A_215, %dma_start3A_223] : memref<819200x128xf32, #tpu.memory_space<hbm>> -> memref<200x128xf32, #tpu.memory_space<hbm>>
      %dma_start3A_225 = arith.constant 0 : i32
      %dma_start3A_226 = arith.constant 0 : i32
      %dma_start3A_227 = tpu.memref_slice %arg6[%dma_start3A_216, %dma_start3A_225, %dma_start3A_226] : memref<4x200x128xf32, #tpu.memory_space<vmem>> -> memref<1x200x128xf32, #tpu.memory_space<vmem>>
      %dma_start3A_228 = tpu.memref_squeeze %dma_start3A_227 : memref<1x200x128xf32, #tpu.memory_space<vmem>> -> memref<200x128xf32, #tpu.memory_space<vmem>>
      tpu.enqueue_dma source(%dma_start3A_228 : memref<200x128xf32, #tpu.memory_space<vmem>>) target(%dma_start3A_224 : memref<200x128xf32, #tpu.memory_space<hbm>>) target_semaphore(%arg13 : memref<!tpu.dma_semaphore, #tpu.memory_space<semaphore_mem>>)
      %add3A_229 = arith.constant 3 : i32
      %add3A_230 = arith.addi %mul3A_97, %add3A_229 : i32
      %add3A_231 = arith.constant 4 : i32
      %add3A_232 = arith.addi %add3A_230, %add3A_231 : i32
      %sub3A_233 = arith.constant 1 : i32
      %sub3A_234 = arith.subi %add3A_232, %sub3A_233 : i32
      %lt3A_235 = arith.constant 128 : i32
      %lt3A_236 = arith.cmpi slt, %sub3A_234, %lt3A_235 : i32
      %convert_element_type3A_237 = arith.extui %lt3A_236 : i1 to i32
      %cond3A_238 = arith.constant 0 : i32
      %cond3A_239 = arith.cmpi ne, %convert_element_type3A_237, %cond3A_238 : i32
      scf.if %cond3A_239 {
        %ge3A = arith.constant 4 : i32
        %ge3A_274 = arith.cmpi sge, %sub3A_234, %ge3A : i32
        %convert_element_type3A_275 = arith.extui %ge3A_274 : i1 to i32
        %cond3A_276 = arith.constant 0 : i32
        %cond3A_277 = arith.cmpi ne, %convert_element_type3A_275, %cond3A_276 : i32
        scf.if %cond3A_277 {
          %sub3A_289 = arith.constant 4 : i32
          %sub3A_290 = arith.subi %sub3A_234, %sub3A_289 : i32
          %mul3A_291 = arith.constant 200 : i32
          %mul3A_292 = arith.muli %sub3A_290, %mul3A_291 : i32
          %add3A_293 = arith.addi %mul3A_2, %mul3A_292 : i32
          %dma_wait3A_294 = arith.constant 2 : i32
          %dma_wait3A_295 = arith.constant 0 : i32
          %dma_wait3A_296 = arith.constant 0 : i32
          %dma_wait3A_297 = tpu.memref_slice %arg6[%dma_wait3A_294, %dma_wait3A_295, %dma_wait3A_296] : memref<4x200x128xf32, #tpu.memory_space<vmem>> -> memref<1x200x128xf32, #tpu.memory_space<vmem>>
          %dma_wait3A_298 = tpu.memref_squeeze %dma_wait3A_297 : memref<1x200x128xf32, #tpu.memory_space<vmem>> -> memref<200x128xf32, #tpu.memory_space<vmem>>
          %dma_wait3A_299 = arith.constant 0 : i32
          %dma_wait3A_300 = tpu.memref_slice %arg4[%add3A_293, %dma_wait3A_299] : memref<819200x128xf32, #tpu.memory_space<hbm>> -> memref<200x128xf32, #tpu.memory_space<hbm>>
          %dma_wait3A_301 = arith.constant 0 : i32
          %dma_wait3A_302 = tpu.memref_slice %arg4[%add3A_293, %dma_wait3A_301] : memref<819200x128xf32, #tpu.memory_space<hbm>> -> memref<200x128xf32, #tpu.memory_space<hbm>>
          %dma_wait3A_303 = arith.constant 0 : i32
          %dma_wait3A_304 = arith.constant 0 : i32
          %dma_wait3A_305 = tpu.memref_slice %arg6[%dma_wait3A_294, %dma_wait3A_303, %dma_wait3A_304] : memref<4x200x128xf32, #tpu.memory_space<vmem>> -> memref<1x200x128xf32, #tpu.memory_space<vmem>>
          %dma_wait3A_306 = tpu.memref_squeeze %dma_wait3A_305 : memref<1x200x128xf32, #tpu.memory_space<vmem>> -> memref<200x128xf32, #tpu.memory_space<vmem>>
          tpu.wait_dma2 semaphore(%arg13 : memref<!tpu.dma_semaphore, #tpu.memory_space<semaphore_mem>>) src(%dma_wait3A_306 : memref<200x128xf32, #tpu.memory_space<vmem>>) dst(%dma_wait3A_302 : memref<200x128xf32, #tpu.memory_space<hbm>>)
        } else {
        }
        %mul3A_278 = arith.constant 200 : i32
        %mul3A_279 = arith.muli %sub3A_234, %mul3A_278 : i32
        %dma_start3A_280 = arith.constant 2 : i32
        %dma_start3A_281 = arith.constant 0 : i32
        %dma_start3A_282 = arith.constant 0 : i32
        %dma_start3A_283 = tpu.memref_slice %arg6[%dma_start3A_280, %dma_start3A_281, %dma_start3A_282] : memref<4x200x128xf32, #tpu.memory_space<vmem>> -> memref<1x200x128xf32, #tpu.memory_space<vmem>>
        %dma_start3A_284 = tpu.memref_squeeze %dma_start3A_283 : memref<1x200x128xf32, #tpu.memory_space<vmem>> -> memref<200x128xf32, #tpu.memory_space<vmem>>
        %dma_start3A_285 = tpu.memref_slice %arg5[%mul3A_279] : memref<25600xi32, #tpu.memory_space<vmem>> -> memref<200xi32, #tpu.memory_space<vmem>>
        %dma_start3A_286 = arith.constant 0 : i32
        %dma_start3A_287 = arith.constant 0 : i32
        %dma_start3A_288 = tpu.memref_slice %arg2[%dma_start3A_286, %dma_start3A_287] : memref<100000x128xf32, #tpu.memory_space<hbm>> -> memref<100000x128xf32, #tpu.memory_space<hbm>>
        tpu.enqueue_indirect_dma source(%dma_start3A_288 : memref<100000x128xf32, #tpu.memory_space<hbm>>) target(%dma_start3A_284 : memref<200x128xf32, #tpu.memory_space<vmem>>) offsets(%dma_start3A_285 : memref<200xi32, #tpu.memory_space<vmem>>) semaphore(%arg9 : memref<!tpu.dma_semaphore, #tpu.memory_space<semaphore_mem>>)
      } else {
      }
      %add3A_240 = arith.constant 3 : i32
      %add3A_241 = arith.addi %mul3A_97, %add3A_240 : i32
      %mul3A_242 = arith.constant 200 : i32
      %mul3A_243 = arith.muli %add3A_241, %mul3A_242 : i32
      %dma_wait3A_244 = arith.constant 3 : i32
      %dma_wait3A_245 = arith.constant 0 : i32
      %dma_wait3A_246 = arith.constant 0 : i32
      %dma_wait3A_247 = tpu.memref_slice %arg6[%dma_wait3A_244, %dma_wait3A_245, %dma_wait3A_246] : memref<4x200x128xf32, #tpu.memory_space<vmem>> -> memref<1x200x128xf32, #tpu.memory_space<vmem>>
      %dma_wait3A_248 = tpu.memref_squeeze %dma_wait3A_247 : memref<1x200x128xf32, #tpu.memory_space<vmem>> -> memref<200x128xf32, #tpu.memory_space<vmem>>
      %dma_wait3A_249 = tpu.memref_slice %arg5[%mul3A_243] : memref<25600xi32, #tpu.memory_space<vmem>> -> memref<200xi32, #tpu.memory_space<vmem>>
      %dma_wait3A_250 = arith.constant 0 : i32
      %dma_wait3A_251 = arith.constant 0 : i32
      %dma_wait3A_252 = tpu.memref_slice %arg2[%dma_wait3A_250, %dma_wait3A_251] : memref<100000x128xf32, #tpu.memory_space<hbm>> -> memref<100000x128xf32, #tpu.memory_space<hbm>>
      tpu.wait_indirect_dma semaphore(%arg10 : memref<!tpu.dma_semaphore, #tpu.memory_space<semaphore_mem>>) src(%dma_wait3A_252 : memref<100000x128xf32, #tpu.memory_space<hbm>>) dst(%dma_wait3A_248 : memref<200x128xf32, #tpu.memory_space<vmem>>)
      %scan3A_253 = arith.constant 0 : i32
      %scan3A_254 = arith.constant 200 : i32
      %scan3A_255 = arith.addi %scan3A_253, %scan3A_254 : i32
      %scan3A_256 = arith.constant 2 : i32
      scf.for %scan3A_274 = %scan3A_253 to %scan3A_255 step %scan3A_256  : i32 {
        %get3A = arith.constant 3 : i32
        %get3A_275 = arith.index_cast %get3A : i32 to index
        %get3A_276 = arith.index_cast %scan3A_274 : i32 to index
        %get3A_277 = arith.constant 0 : index
        %get3A_278 = tpu.vector_load %arg6[%get3A_275, %get3A_276, %get3A_277] {strides = array<i32>} : memref<4x200x128xf32, #tpu.memory_space<vmem>>, vector<1x1x16xf32>,
        %get3A_279 = vector.shape_cast %get3A_278 : vector<1x1x16xf32> to vector<16xf32>
        %mul3A_280 = arith.constant 11.3137083 : f32
        %mul3A_281 = vector.broadcast %mul3A_280 : f32 to vector<16xf32>
        %mul3A_282 = arith.mulf %get3A_279, %mul3A_281 : vector<16xf32>
        %swap3A = arith.constant 3 : i32
        %swap3A_283 = arith.index_cast %swap3A : i32 to index
        %swap3A_284 = arith.index_cast %scan3A_274 : i32 to index
        %swap3A_285 = arith.constant 0 : index
        %swap3A_286 = tpu.vector_load %arg6[%swap3A_283, %swap3A_284, %swap3A_285] {strides = array<i32>} : memref<4x200x128xf32, #tpu.memory_space<vmem>>, vector<1x1x16xf32>,
        %swap3A_287 = vector.shape_cast %swap3A_286 : vector<1x1x16xf32> to vector<16xf32>
        %swap3A_288 = vector.shape_cast %mul3A_282 : vector<16xf32> to vector<1x1x16xf32>
        tpu.vector_store %arg6[%swap3A_283, %swap3A_284, %swap3A_285], %swap3A_288 {strides = array<i32>} : memref<4x200x128xf32, #tpu.memory_space<vmem>>, vector<1x1x16xf32>,
        %get3A_289 = arith.constant 3 : i32
        %get3A_290 = arith.index_cast %get3A_289 : i32 to index
        %get3A_291 = arith.index_cast %scan3A_274 : i32 to index
        %get3A_292 = arith.constant 16 : index
        %get3A_293 = tpu.vector_load %arg6[%get3A_290, %get3A_291, %get3A_292] {strides = array<i32>} : memref<4x200x128xf32, #tpu.memory_space<vmem>>, vector<1x1x16xf32>,
        %get3A_294 = vector.shape_cast %get3A_293 : vector<1x1x16xf32> to vector<16xf32>
        %mul3A_295 = arith.constant 11.3137083 : f32
        %mul3A_296 = vector.broadcast %mul3A_295 : f32 to vector<16xf32>
        %mul3A_297 = arith.mulf %get3A_294, %mul3A_296 : vector<16xf32>
        %swap3A_298 = arith.constant 3 : i32
        %swap3A_299 = arith.index_cast %swap3A_298 : i32 to index
        %swap3A_300 = arith.index_cast %scan3A_274 : i32 to index
        %swap3A_301 = arith.constant 16 : index
        %swap3A_302 = tpu.vector_load %arg6[%swap3A_299, %swap3A_300, %swap3A_301] {strides = array<i32>} : memref<4x200x128xf32, #tpu.memory_space<vmem>>, vector<1x1x16xf32>,
        %swap3A_303 = vector.shape_cast %swap3A_302 : vector<1x1x16xf32> to vector<16xf32>
        %swap3A_304 = vector.shape_cast %mul3A_297 : vector<16xf32> to vector<1x1x16xf32>
        tpu.vector_store %arg6[%swap3A_299, %swap3A_300, %swap3A_301], %swap3A_304 {strides = array<i32>} : memref<4x200x128xf32, #tpu.memory_space<vmem>>, vector<1x1x16xf32>,
        %get3A_305 = arith.constant 3 : i32
        %get3A_306 = arith.index_cast %get3A_305 : i32 to index
        %get3A_307 = arith.index_cast %scan3A_274 : i32 to index
        %get3A_308 = arith.constant 32 : index
        %get3A_309 = tpu.vector_load %arg6[%get3A_306, %get3A_307, %get3A_308] {strides = array<i32>} : memref<4x200x128xf32, #tpu.memory_space<vmem>>, vector<1x1x16xf32>,
        %get3A_310 = vector.shape_cast %get3A_309 : vector<1x1x16xf32> to vector<16xf32>
        %mul3A_311 = arith.constant 11.3137083 : f32
        %mul3A_312 = vector.broadcast %mul3A_311 : f32 to vector<16xf32>
        %mul3A_313 = arith.mulf %get3A_310, %mul3A_312 : vector<16xf32>
        %swap3A_314 = arith.constant 3 : i32
        %swap3A_315 = arith.index_cast %swap3A_314 : i32 to index
        %swap3A_316 = arith.index_cast %scan3A_274 : i32 to index
        %swap3A_317 = arith.constant 32 : index
        %swap3A_318 = tpu.vector_load %arg6[%swap3A_315, %swap3A_316, %swap3A_317] {strides = array<i32>} : memref<4x200x128xf32, #tpu.memory_space<vmem>>, vector<1x1x16xf32>,
        %swap3A_319 = vector.shape_cast %swap3A_318 : vector<1x1x16xf32> to vector<16xf32>
        %swap3A_320 = vector.shape_cast %mul3A_313 : vector<16xf32> to vector<1x1x16xf32>
        tpu.vector_store %arg6[%swap3A_315, %swap3A_316, %swap3A_317], %swap3A_320 {strides = array<i32>} : memref<4x200x128xf32, #tpu.memory_space<vmem>>, vector<1x1x16xf32>,
        %get3A_321 = arith.constant 3 : i32
        %get3A_322 = arith.index_cast %get3A_321 : i32 to index
        %get3A_323 = arith.index_cast %scan3A_274 : i32 to index
        %get3A_324 = arith.constant 48 : index
        %get3A_325 = tpu.vector_load %arg6[%get3A_322, %get3A_323, %get3A_324] {strides = array<i32>} : memref<4x200x128xf32, #tpu.memory_space<vmem>>, vector<1x1x16xf32>,
        %get3A_326 = vector.shape_cast %get3A_325 : vector<1x1x16xf32> to vector<16xf32>
        %mul3A_327 = arith.constant 11.3137083 : f32
        %mul3A_328 = vector.broadcast %mul3A_327 : f32 to vector<16xf32>
        %mul3A_329 = arith.mulf %get3A_326, %mul3A_328 : vector<16xf32>
        %swap3A_330 = arith.constant 3 : i32
        %swap3A_331 = arith.index_cast %swap3A_330 : i32 to index
        %swap3A_332 = arith.index_cast %scan3A_274 : i32 to index
        %swap3A_333 = arith.constant 48 : index
        %swap3A_334 = tpu.vector_load %arg6[%swap3A_331, %swap3A_332, %swap3A_333] {strides = array<i32>} : memref<4x200x128xf32, #tpu.memory_space<vmem>>, vector<1x1x16xf32>,
        %swap3A_335 = vector.shape_cast %swap3A_334 : vector<1x1x16xf32> to vector<16xf32>
        %swap3A_336 = vector.shape_cast %mul3A_329 : vector<16xf32> to vector<1x1x16xf32>
        tpu.vector_store %arg6[%swap3A_331, %swap3A_332, %swap3A_333], %swap3A_336 {strides = array<i32>} : memref<4x200x128xf32, #tpu.memory_space<vmem>>, vector<1x1x16xf32>,
        %get3A_337 = arith.constant 3 : i32
        %get3A_338 = arith.index_cast %get3A_337 : i32 to index
        %get3A_339 = arith.index_cast %scan3A_274 : i32 to index
        %get3A_340 = arith.constant 64 : index
        %get3A_341 = tpu.vector_load %arg6[%get3A_338, %get3A_339, %get3A_340] {strides = array<i32>} : memref<4x200x128xf32, #tpu.memory_space<vmem>>, vector<1x1x16xf32>,
        %get3A_342 = vector.shape_cast %get3A_341 : vector<1x1x16xf32> to vector<16xf32>
        %mul3A_343 = arith.constant 11.3137083 : f32
        %mul3A_344 = vector.broadcast %mul3A_343 : f32 to vector<16xf32>
        %mul3A_345 = arith.mulf %get3A_342, %mul3A_344 : vector<16xf32>
        %swap3A_346 = arith.constant 3 : i32
        %swap3A_347 = arith.index_cast %swap3A_346 : i32 to index
        %swap3A_348 = arith.index_cast %scan3A_274 : i32 to index
        %swap3A_349 = arith.constant 64 : index
        %swap3A_350 = tpu.vector_load %arg6[%swap3A_347, %swap3A_348, %swap3A_349] {strides = array<i32>} : memref<4x200x128xf32, #tpu.memory_space<vmem>>, vector<1x1x16xf32>,
        %swap3A_351 = vector.shape_cast %swap3A_350 : vector<1x1x16xf32> to vector<16xf32>
        %swap3A_352 = vector.shape_cast %mul3A_345 : vector<16xf32> to vector<1x1x16xf32>
        tpu.vector_store %arg6[%swap3A_347, %swap3A_348, %swap3A_349], %swap3A_352 {strides = array<i32>} : memref<4x200x128xf32, #tpu.memory_space<vmem>>, vector<1x1x16xf32>,
        %get3A_353 = arith.constant 3 : i32
        %get3A_354 = arith.index_cast %get3A_353 : i32 to index
        %get3A_355 = arith.index_cast %scan3A_274 : i32 to index
        %get3A_356 = arith.constant 80 : index
        %get3A_357 = tpu.vector_load %arg6[%get3A_354, %get3A_355, %get3A_356] {strides = array<i32>} : memref<4x200x128xf32, #tpu.memory_space<vmem>>, vector<1x1x16xf32>,
        %get3A_358 = vector.shape_cast %get3A_357 : vector<1x1x16xf32> to vector<16xf32>
        %mul3A_359 = arith.constant 11.3137083 : f32
        %mul3A_360 = vector.broadcast %mul3A_359 : f32 to vector<16xf32>
        %mul3A_361 = arith.mulf %get3A_358, %mul3A_360 : vector<16xf32>
        %swap3A_362 = arith.constant 3 : i32
        %swap3A_363 = arith.index_cast %swap3A_362 : i32 to index
        %swap3A_364 = arith.index_cast %scan3A_274 : i32 to index
        %swap3A_365 = arith.constant 80 : index
        %swap3A_366 = tpu.vector_load %arg6[%swap3A_363, %swap3A_364, %swap3A_365] {strides = array<i32>} : memref<4x200x128xf32, #tpu.memory_space<vmem>>, vector<1x1x16xf32>,
        %swap3A_367 = vector.shape_cast %swap3A_366 : vector<1x1x16xf32> to vector<16xf32>
        %swap3A_368 = vector.shape_cast %mul3A_361 : vector<16xf32> to vector<1x1x16xf32>
        tpu.vector_store %arg6[%swap3A_363, %swap3A_364, %swap3A_365], %swap3A_368 {strides = array<i32>} : memref<4x200x128xf32, #tpu.memory_space<vmem>>, vector<1x1x16xf32>,
        %get3A_369 = arith.constant 3 : i32
        %get3A_370 = arith.index_cast %get3A_369 : i32 to index
        %get3A_371 = arith.index_cast %scan3A_274 : i32 to index
        %get3A_372 = arith.constant 96 : index
        %get3A_373 = tpu.vector_load %arg6[%get3A_370, %get3A_371, %get3A_372] {strides = array<i32>} : memref<4x200x128xf32, #tpu.memory_space<vmem>>, vector<1x1x16xf32>,
        %get3A_374 = vector.shape_cast %get3A_373 : vector<1x1x16xf32> to vector<16xf32>
        %mul3A_375 = arith.constant 11.3137083 : f32
        %mul3A_376 = vector.broadcast %mul3A_375 : f32 to vector<16xf32>
        %mul3A_377 = arith.mulf %get3A_374, %mul3A_376 : vector<16xf32>
        %swap3A_378 = arith.constant 3 : i32
        %swap3A_379 = arith.index_cast %swap3A_378 : i32 to index
        %swap3A_380 = arith.index_cast %scan3A_274 : i32 to index
        %swap3A_381 = arith.constant 96 : index
        %swap3A_382 = tpu.vector_load %arg6[%swap3A_379, %swap3A_380, %swap3A_381] {strides = array<i32>} : memref<4x200x128xf32, #tpu.memory_space<vmem>>, vector<1x1x16xf32>,
        %swap3A_383 = vector.shape_cast %swap3A_382 : vector<1x1x16xf32> to vector<16xf32>
        %swap3A_384 = vector.shape_cast %mul3A_377 : vector<16xf32> to vector<1x1x16xf32>
        tpu.vector_store %arg6[%swap3A_379, %swap3A_380, %swap3A_381], %swap3A_384 {strides = array<i32>} : memref<4x200x128xf32, #tpu.memory_space<vmem>>, vector<1x1x16xf32>,
        %get3A_385 = arith.constant 3 : i32
        %get3A_386 = arith.index_cast %get3A_385 : i32 to index
        %get3A_387 = arith.index_cast %scan3A_274 : i32 to index
        %get3A_388 = arith.constant 112 : index
        %get3A_389 = tpu.vector_load %arg6[%get3A_386, %get3A_387, %get3A_388] {strides = array<i32>} : memref<4x200x128xf32, #tpu.memory_space<vmem>>, vector<1x1x16xf32>,
        %get3A_390 = vector.shape_cast %get3A_389 : vector<1x1x16xf32> to vector<16xf32>
        %mul3A_391 = arith.constant 11.3137083 : f32
        %mul3A_392 = vector.broadcast %mul3A_391 : f32 to vector<16xf32>
        %mul3A_393 = arith.mulf %get3A_390, %mul3A_392 : vector<16xf32>
        %swap3A_394 = arith.constant 3 : i32
        %swap3A_395 = arith.index_cast %swap3A_394 : i32 to index
        %swap3A_396 = arith.index_cast %scan3A_274 : i32 to index
        %swap3A_397 = arith.constant 112 : index
        %swap3A_398 = tpu.vector_load %arg6[%swap3A_395, %swap3A_396, %swap3A_397] {strides = array<i32>} : memref<4x200x128xf32, #tpu.memory_space<vmem>>, vector<1x1x16xf32>,
        %swap3A_399 = vector.shape_cast %swap3A_398 : vector<1x1x16xf32> to vector<16xf32>
        %swap3A_400 = vector.shape_cast %mul3A_393 : vector<16xf32> to vector<1x1x16xf32>
        tpu.vector_store %arg6[%swap3A_395, %swap3A_396, %swap3A_397], %swap3A_400 {strides = array<i32>} : memref<4x200x128xf32, #tpu.memory_space<vmem>>, vector<1x1x16xf32>,
        %scan3A_401 = arith.constant 1 : i32
        %scan3A_402 = arith.addi %scan3A_274, %scan3A_401 : i32
        %get3A_403 = arith.constant 3 : i32
        %get3A_404 = arith.index_cast %get3A_403 : i32 to index
        %get3A_405 = arith.index_cast %scan3A_402 : i32 to index
        %get3A_406 = arith.constant 0 : index
        %get3A_407 = tpu.vector_load %arg6[%get3A_404, %get3A_405, %get3A_406] {strides = array<i32>} : memref<4x200x128xf32, #tpu.memory_space<vmem>>, vector<1x1x16xf32>,
        %get3A_408 = vector.shape_cast %get3A_407 : vector<1x1x16xf32> to vector<16xf32>
        %mul3A_409 = arith.constant 11.3137083 : f32
        %mul3A_410 = vector.broadcast %mul3A_409 : f32 to vector<16xf32>
        %mul3A_411 = arith.mulf %get3A_408, %mul3A_410 : vector<16xf32>
        %swap3A_412 = arith.constant 3 : i32
        %swap3A_413 = arith.index_cast %swap3A_412 : i32 to index
        %swap3A_414 = arith.index_cast %scan3A_402 : i32 to index
        %swap3A_415 = arith.constant 0 : index
        %swap3A_416 = tpu.vector_load %arg6[%swap3A_413, %swap3A_414, %swap3A_415] {strides = array<i32>} : memref<4x200x128xf32, #tpu.memory_space<vmem>>, vector<1x1x16xf32>,
        %swap3A_417 = vector.shape_cast %swap3A_416 : vector<1x1x16xf32> to vector<16xf32>
        %swap3A_418 = vector.shape_cast %mul3A_411 : vector<16xf32> to vector<1x1x16xf32>
        tpu.vector_store %arg6[%swap3A_413, %swap3A_414, %swap3A_415], %swap3A_418 {strides = array<i32>} : memref<4x200x128xf32, #tpu.memory_space<vmem>>, vector<1x1x16xf32>,
        %get3A_419 = arith.constant 3 : i32
        %get3A_420 = arith.index_cast %get3A_419 : i32 to index
        %get3A_421 = arith.index_cast %scan3A_402 : i32 to index
        %get3A_422 = arith.constant 16 : index
        %get3A_423 = tpu.vector_load %arg6[%get3A_420, %get3A_421, %get3A_422] {strides = array<i32>} : memref<4x200x128xf32, #tpu.memory_space<vmem>>, vector<1x1x16xf32>,
        %get3A_424 = vector.shape_cast %get3A_423 : vector<1x1x16xf32> to vector<16xf32>
        %mul3A_425 = arith.constant 11.3137083 : f32
        %mul3A_426 = vector.broadcast %mul3A_425 : f32 to vector<16xf32>
        %mul3A_427 = arith.mulf %get3A_424, %mul3A_426 : vector<16xf32>
        %swap3A_428 = arith.constant 3 : i32
        %swap3A_429 = arith.index_cast %swap3A_428 : i32 to index
        %swap3A_430 = arith.index_cast %scan3A_402 : i32 to index
        %swap3A_431 = arith.constant 16 : index
        %swap3A_432 = tpu.vector_load %arg6[%swap3A_429, %swap3A_430, %swap3A_431] {strides = array<i32>} : memref<4x200x128xf32, #tpu.memory_space<vmem>>, vector<1x1x16xf32>,
        %swap3A_433 = vector.shape_cast %swap3A_432 : vector<1x1x16xf32> to vector<16xf32>
        %swap3A_434 = vector.shape_cast %mul3A_427 : vector<16xf32> to vector<1x1x16xf32>
        tpu.vector_store %arg6[%swap3A_429, %swap3A_430, %swap3A_431], %swap3A_434 {strides = array<i32>} : memref<4x200x128xf32, #tpu.memory_space<vmem>>, vector<1x1x16xf32>,
        %get3A_435 = arith.constant 3 : i32
        %get3A_436 = arith.index_cast %get3A_435 : i32 to index
        %get3A_437 = arith.index_cast %scan3A_402 : i32 to index
        %get3A_438 = arith.constant 32 : index
        %get3A_439 = tpu.vector_load %arg6[%get3A_436, %get3A_437, %get3A_438] {strides = array<i32>} : memref<4x200x128xf32, #tpu.memory_space<vmem>>, vector<1x1x16xf32>,
        %get3A_440 = vector.shape_cast %get3A_439 : vector<1x1x16xf32> to vector<16xf32>
        %mul3A_441 = arith.constant 11.3137083 : f32
        %mul3A_442 = vector.broadcast %mul3A_441 : f32 to vector<16xf32>
        %mul3A_443 = arith.mulf %get3A_440, %mul3A_442 : vector<16xf32>
        %swap3A_444 = arith.constant 3 : i32
        %swap3A_445 = arith.index_cast %swap3A_444 : i32 to index
        %swap3A_446 = arith.index_cast %scan3A_402 : i32 to index
        %swap3A_447 = arith.constant 32 : index
        %swap3A_448 = tpu.vector_load %arg6[%swap3A_445, %swap3A_446, %swap3A_447] {strides = array<i32>} : memref<4x200x128xf32, #tpu.memory_space<vmem>>, vector<1x1x16xf32>,
        %swap3A_449 = vector.shape_cast %swap3A_448 : vector<1x1x16xf32> to vector<16xf32>
        %swap3A_450 = vector.shape_cast %mul3A_443 : vector<16xf32> to vector<1x1x16xf32>
        tpu.vector_store %arg6[%swap3A_445, %swap3A_446, %swap3A_447], %swap3A_450 {strides = array<i32>} : memref<4x200x128xf32, #tpu.memory_space<vmem>>, vector<1x1x16xf32>,
        %get3A_451 = arith.constant 3 : i32
        %get3A_452 = arith.index_cast %get3A_451 : i32 to index
        %get3A_453 = arith.index_cast %scan3A_402 : i32 to index
        %get3A_454 = arith.constant 48 : index
        %get3A_455 = tpu.vector_load %arg6[%get3A_452, %get3A_453, %get3A_454] {strides = array<i32>} : memref<4x200x128xf32, #tpu.memory_space<vmem>>, vector<1x1x16xf32>,
        %get3A_456 = vector.shape_cast %get3A_455 : vector<1x1x16xf32> to vector<16xf32>
        %mul3A_457 = arith.constant 11.3137083 : f32
        %mul3A_458 = vector.broadcast %mul3A_457 : f32 to vector<16xf32>
        %mul3A_459 = arith.mulf %get3A_456, %mul3A_458 : vector<16xf32>
        %swap3A_460 = arith.constant 3 : i32
        %swap3A_461 = arith.index_cast %swap3A_460 : i32 to index
        %swap3A_462 = arith.index_cast %scan3A_402 : i32 to index
        %swap3A_463 = arith.constant 48 : index
        %swap3A_464 = tpu.vector_load %arg6[%swap3A_461, %swap3A_462, %swap3A_463] {strides = array<i32>} : memref<4x200x128xf32, #tpu.memory_space<vmem>>, vector<1x1x16xf32>,
        %swap3A_465 = vector.shape_cast %swap3A_464 : vector<1x1x16xf32> to vector<16xf32>
        %swap3A_466 = vector.shape_cast %mul3A_459 : vector<16xf32> to vector<1x1x16xf32>
        tpu.vector_store %arg6[%swap3A_461, %swap3A_462, %swap3A_463], %swap3A_466 {strides = array<i32>} : memref<4x200x128xf32, #tpu.memory_space<vmem>>, vector<1x1x16xf32>,
        %get3A_467 = arith.constant 3 : i32
        %get3A_468 = arith.index_cast %get3A_467 : i32 to index
        %get3A_469 = arith.index_cast %scan3A_402 : i32 to index
        %get3A_470 = arith.constant 64 : index
        %get3A_471 = tpu.vector_load %arg6[%get3A_468, %get3A_469, %get3A_470] {strides = array<i32>} : memref<4x200x128xf32, #tpu.memory_space<vmem>>, vector<1x1x16xf32>,
        %get3A_472 = vector.shape_cast %get3A_471 : vector<1x1x16xf32> to vector<16xf32>
        %mul3A_473 = arith.constant 11.3137083 : f32
        %mul3A_474 = vector.broadcast %mul3A_473 : f32 to vector<16xf32>
        %mul3A_475 = arith.mulf %get3A_472, %mul3A_474 : vector<16xf32>
        %swap3A_476 = arith.constant 3 : i32
        %swap3A_477 = arith.index_cast %swap3A_476 : i32 to index
        %swap3A_478 = arith.index_cast %scan3A_402 : i32 to index
        %swap3A_479 = arith.constant 64 : index
        %swap3A_480 = tpu.vector_load %arg6[%swap3A_477, %swap3A_478, %swap3A_479] {strides = array<i32>} : memref<4x200x128xf32, #tpu.memory_space<vmem>>, vector<1x1x16xf32>,
        %swap3A_481 = vector.shape_cast %swap3A_480 : vector<1x1x16xf32> to vector<16xf32>
        %swap3A_482 = vector.shape_cast %mul3A_475 : vector<16xf32> to vector<1x1x16xf32>
        tpu.vector_store %arg6[%swap3A_477, %swap3A_478, %swap3A_479], %swap3A_482 {strides = array<i32>} : memref<4x200x128xf32, #tpu.memory_space<vmem>>, vector<1x1x16xf32>,
        %get3A_483 = arith.constant 3 : i32
        %get3A_484 = arith.index_cast %get3A_483 : i32 to index
        %get3A_485 = arith.index_cast %scan3A_402 : i32 to index
        %get3A_486 = arith.constant 80 : index
        %get3A_487 = tpu.vector_load %arg6[%get3A_484, %get3A_485, %get3A_486] {strides = array<i32>} : memref<4x200x128xf32, #tpu.memory_space<vmem>>, vector<1x1x16xf32>,
        %get3A_488 = vector.shape_cast %get3A_487 : vector<1x1x16xf32> to vector<16xf32>
        %mul3A_489 = arith.constant 11.3137083 : f32
        %mul3A_490 = vector.broadcast %mul3A_489 : f32 to vector<16xf32>
        %mul3A_491 = arith.mulf %get3A_488, %mul3A_490 : vector<16xf32>
        %swap3A_492 = arith.constant 3 : i32
        %swap3A_493 = arith.index_cast %swap3A_492 : i32 to index
        %swap3A_494 = arith.index_cast %scan3A_402 : i32 to index
        %swap3A_495 = arith.constant 80 : index
        %swap3A_496 = tpu.vector_load %arg6[%swap3A_493, %swap3A_494, %swap3A_495] {strides = array<i32>} : memref<4x200x128xf32, #tpu.memory_space<vmem>>, vector<1x1x16xf32>,
        %swap3A_497 = vector.shape_cast %swap3A_496 : vector<1x1x16xf32> to vector<16xf32>
        %swap3A_498 = vector.shape_cast %mul3A_491 : vector<16xf32> to vector<1x1x16xf32>
        tpu.vector_store %arg6[%swap3A_493, %swap3A_494, %swap3A_495], %swap3A_498 {strides = array<i32>} : memref<4x200x128xf32, #tpu.memory_space<vmem>>, vector<1x1x16xf32>,
        %get3A_499 = arith.constant 3 : i32
        %get3A_500 = arith.index_cast %get3A_499 : i32 to index
        %get3A_501 = arith.index_cast %scan3A_402 : i32 to index
        %get3A_502 = arith.constant 96 : index
        %get3A_503 = tpu.vector_load %arg6[%get3A_500, %get3A_501, %get3A_502] {strides = array<i32>} : memref<4x200x128xf32, #tpu.memory_space<vmem>>, vector<1x1x16xf32>,
        %get3A_504 = vector.shape_cast %get3A_503 : vector<1x1x16xf32> to vector<16xf32>
        %mul3A_505 = arith.constant 11.3137083 : f32
        %mul3A_506 = vector.broadcast %mul3A_505 : f32 to vector<16xf32>
        %mul3A_507 = arith.mulf %get3A_504, %mul3A_506 : vector<16xf32>
        %swap3A_508 = arith.constant 3 : i32
        %swap3A_509 = arith.index_cast %swap3A_508 : i32 to index
        %swap3A_510 = arith.index_cast %scan3A_402 : i32 to index
        %swap3A_511 = arith.constant 96 : index
        %swap3A_512 = tpu.vector_load %arg6[%swap3A_509, %swap3A_510, %swap3A_511] {strides = array<i32>} : memref<4x200x128xf32, #tpu.memory_space<vmem>>, vector<1x1x16xf32>,
        %swap3A_513 = vector.shape_cast %swap3A_512 : vector<1x1x16xf32> to vector<16xf32>
        %swap3A_514 = vector.shape_cast %mul3A_507 : vector<16xf32> to vector<1x1x16xf32>
        tpu.vector_store %arg6[%swap3A_509, %swap3A_510, %swap3A_511], %swap3A_514 {strides = array<i32>} : memref<4x200x128xf32, #tpu.memory_space<vmem>>, vector<1x1x16xf32>,
        %get3A_515 = arith.constant 3 : i32
        %get3A_516 = arith.index_cast %get3A_515 : i32 to index
        %get3A_517 = arith.index_cast %scan3A_402 : i32 to index
        %get3A_518 = arith.constant 112 : index
        %get3A_519 = tpu.vector_load %arg6[%get3A_516, %get3A_517, %get3A_518] {strides = array<i32>} : memref<4x200x128xf32, #tpu.memory_space<vmem>>, vector<1x1x16xf32>,
        %get3A_520 = vector.shape_cast %get3A_519 : vector<1x1x16xf32> to vector<16xf32>
        %mul3A_521 = arith.constant 11.3137083 : f32
        %mul3A_522 = vector.broadcast %mul3A_521 : f32 to vector<16xf32>
        %mul3A_523 = arith.mulf %get3A_520, %mul3A_522 : vector<16xf32>
        %swap3A_524 = arith.constant 3 : i32
        %swap3A_525 = arith.index_cast %swap3A_524 : i32 to index
        %swap3A_526 = arith.index_cast %scan3A_402 : i32 to index
        %swap3A_527 = arith.constant 112 : index
        %swap3A_528 = tpu.vector_load %arg6[%swap3A_525, %swap3A_526, %swap3A_527] {strides = array<i32>} : memref<4x200x128xf32, #tpu.memory_space<vmem>>, vector<1x1x16xf32>,
        %swap3A_529 = vector.shape_cast %swap3A_528 : vector<1x1x16xf32> to vector<16xf32>
        %swap3A_530 = vector.shape_cast %mul3A_523 : vector<16xf32> to vector<1x1x16xf32>
        tpu.vector_store %arg6[%swap3A_525, %swap3A_526, %swap3A_527], %swap3A_530 {strides = array<i32>} : memref<4x200x128xf32, #tpu.memory_space<vmem>>, vector<1x1x16xf32>,
      }
      %scan3A_257 = arith.constant 200 : i32
      %mul3A_258 = arith.constant 200 : i32
      %mul3A_259 = arith.muli %add3A_241, %mul3A_258 : i32
      %add3A_260 = arith.addi %mul3A_2, %mul3A_259 : i32
      %dma_start3A_261 = arith.constant 3 : i32
      %dma_start3A_262 = arith.constant 0 : i32
      %dma_start3A_263 = arith.constant 0 : i32
      %dma_start3A_264 = tpu.memref_slice %arg6[%dma_start3A_261, %dma_start3A_262, %dma_start3A_263] : memref<4x200x128xf32, #tpu.memory_space<vmem>> -> memref<1x200x128xf32, #tpu.memory_space<vmem>>
      %dma_start3A_265 = tpu.memref_squeeze %dma_start3A_264 : memref<1x200x128xf32, #tpu.memory_space<vmem>> -> memref<200x128xf32, #tpu.memory_space<vmem>>
      %dma_start3A_266 = arith.constant 0 : i32
      %dma_start3A_267 = tpu.memref_slice %arg4[%add3A_260, %dma_start3A_266] : memref<819200x128xf32, #tpu.memory_space<hbm>> -> memref<200x128xf32, #tpu.memory_space<hbm>>
      %dma_start3A_268 = arith.constant 0 : i32
      %dma_start3A_269 = tpu.memref_slice %arg4[%add3A_260, %dma_start3A_268] : memref<819200x128xf32, #tpu.memory_space<hbm>> -> memref<200x128xf32, #tpu.memory_space<hbm>>
      %dma_start3A_270 = arith.constant 0 : i32
      %dma_start3A_271 = arith.constant 0 : i32
      %dma_start3A_272 = tpu.memref_slice %arg6[%dma_start3A_261, %dma_start3A_270, %dma_start3A_271] : memref<4x200x128xf32, #tpu.memory_space<vmem>> -> memref<1x200x128xf32, #tpu.memory_space<vmem>>
      %dma_start3A_273 = tpu.memref_squeeze %dma_start3A_272 : memref<1x200x128xf32, #tpu.memory_space<vmem>> -> memref<200x128xf32, #tpu.memory_space<vmem>>
      tpu.enqueue_dma source(%dma_start3A_273 : memref<200x128xf32, #tpu.memory_space<vmem>>) target(%dma_start3A_269 : memref<200x128xf32, #tpu.memory_space<hbm>>) target_semaphore(%arg14 : memref<!tpu.dma_semaphore, #tpu.memory_space<semaphore_mem>>)
    }
    %scan3A_35 = arith.constant 32 : i32
    %add3A_36 = arith.constant 24800 : i32
    %add3A_37 = arith.addi %mul3A_2, %add3A_36 : i32
    %dma_wait3A = arith.constant 0 : i32
    %dma_wait3A_38 = arith.constant 0 : i32
    %dma_wait3A_39 = arith.constant 0 : i32
    %dma_wait3A_40 = tpu.memref_slice %arg6[%dma_wait3A, %dma_wait3A_38, %dma_wait3A_39] : memref<4x200x128xf32, #tpu.memory_space<vmem>> -> memref<1x200x128xf32, #tpu.memory_space<vmem>>
    %dma_wait3A_41 = tpu.memref_squeeze %dma_wait3A_40 : memref<1x200x128xf32, #tpu.memory_space<vmem>> -> memref<200x128xf32, #tpu.memory_space<vmem>>
    %dma_wait3A_42 = arith.constant 0 : i32
    %dma_wait3A_43 = tpu.memref_slice %arg4[%add3A_37, %dma_wait3A_42] : memref<819200x128xf32, #tpu.memory_space<hbm>> -> memref<200x128xf32, #tpu.memory_space<hbm>>
    %dma_wait3A_44 = arith.constant 0 : i32
    %dma_wait3A_45 = tpu.memref_slice %arg4[%add3A_37, %dma_wait3A_44] : memref<819200x128xf32, #tpu.memory_space<hbm>> -> memref<200x128xf32, #tpu.memory_space<hbm>>
    %dma_wait3A_46 = arith.constant 0 : i32
    %dma_wait3A_47 = arith.constant 0 : i32
    %dma_wait3A_48 = tpu.memref_slice %arg6[%dma_wait3A, %dma_wait3A_46, %dma_wait3A_47] : memref<4x200x128xf32, #tpu.memory_space<vmem>> -> memref<1x200x128xf32, #tpu.memory_space<vmem>>
    %dma_wait3A_49 = tpu.memref_squeeze %dma_wait3A_48 : memref<1x200x128xf32, #tpu.memory_space<vmem>> -> memref<200x128xf32, #tpu.memory_space<vmem>>
    tpu.wait_dma2 semaphore(%arg11 : memref<!tpu.dma_semaphore, #tpu.memory_space<semaphore_mem>>) src(%dma_wait3A_49 : memref<200x128xf32, #tpu.memory_space<vmem>>) dst(%dma_wait3A_45 : memref<200x128xf32, #tpu.memory_space<hbm>>)
    %add3A_50 = arith.constant 25000 : i32
    %add3A_51 = arith.addi %mul3A_2, %add3A_50 : i32
    %dma_wait3A_52 = arith.constant 1 : i32
    %dma_wait3A_53 = arith.constant 0 : i32
    %dma_wait3A_54 = arith.constant 0 : i32
    %dma_wait3A_55 = tpu.memref_slice %arg6[%dma_wait3A_52, %dma_wait3A_53, %dma_wait3A_54] : memref<4x200x128xf32, #tpu.memory_space<vmem>> -> memref<1x200x128xf32, #tpu.memory_space<vmem>>
    %dma_wait3A_56 = tpu.memref_squeeze %dma_wait3A_55 : memref<1x200x128xf32, #tpu.memory_space<vmem>> -> memref<200x128xf32, #tpu.memory_space<vmem>>
    %dma_wait3A_57 = arith.constant 0 : i32
    %dma_wait3A_58 = tpu.memref_slice %arg4[%add3A_51, %dma_wait3A_57] : memref<819200x128xf32, #tpu.memory_space<hbm>> -> memref<200x128xf32, #tpu.memory_space<hbm>>
    %dma_wait3A_59 = arith.constant 0 : i32
    %dma_wait3A_60 = tpu.memref_slice %arg4[%add3A_51, %dma_wait3A_59] : memref<819200x128xf32, #tpu.memory_space<hbm>> -> memref<200x128xf32, #tpu.memory_space<hbm>>
    %dma_wait3A_61 = arith.constant 0 : i32
    %dma_wait3A_62 = arith.constant 0 : i32
    %dma_wait3A_63 = tpu.memref_slice %arg6[%dma_wait3A_52, %dma_wait3A_61, %dma_wait3A_62] : memref<4x200x128xf32, #tpu.memory_space<vmem>> -> memref<1x200x128xf32, #tpu.memory_space<vmem>>
    %dma_wait3A_64 = tpu.memref_squeeze %dma_wait3A_63 : memref<1x200x128xf32, #tpu.memory_space<vmem>> -> memref<200x128xf32, #tpu.memory_space<vmem>>
    tpu.wait_dma2 semaphore(%arg12 : memref<!tpu.dma_semaphore, #tpu.memory_space<semaphore_mem>>) src(%dma_wait3A_64 : memref<200x128xf32, #tpu.memory_space<vmem>>) dst(%dma_wait3A_60 : memref<200x128xf32, #tpu.memory_space<hbm>>)
    %add3A_65 = arith.constant 25200 : i32
    %add3A_66 = arith.addi %mul3A_2, %add3A_65 : i32
    %dma_wait3A_67 = arith.constant 2 : i32
    %dma_wait3A_68 = arith.constant 0 : i32
    %dma_wait3A_69 = arith.constant 0 : i32
    %dma_wait3A_70 = tpu.memref_slice %arg6[%dma_wait3A_67, %dma_wait3A_68, %dma_wait3A_69] : memref<4x200x128xf32, #tpu.memory_space<vmem>> -> memref<1x200x128xf32, #tpu.memory_space<vmem>>
    %dma_wait3A_71 = tpu.memref_squeeze %dma_wait3A_70 : memref<1x200x128xf32, #tpu.memory_space<vmem>> -> memref<200x128xf32, #tpu.memory_space<vmem>>
    %dma_wait3A_72 = arith.constant 0 : i32
    %dma_wait3A_73 = tpu.memref_slice %arg4[%add3A_66, %dma_wait3A_72] : memref<819200x128xf32, #tpu.memory_space<hbm>> -> memref<200x128xf32, #tpu.memory_space<hbm>>
    %dma_wait3A_74 = arith.constant 0 : i32
    %dma_wait3A_75 = tpu.memref_slice %arg4[%add3A_66, %dma_wait3A_74] : memref<819200x128xf32, #tpu.memory_space<hbm>> -> memref<200x128xf32, #tpu.memory_space<hbm>>
    %dma_wait3A_76 = arith.constant 0 : i32
    %dma_wait3A_77 = arith.constant 0 : i32
    %dma_wait3A_78 = tpu.memref_slice %arg6[%dma_wait3A_67, %dma_wait3A_76, %dma_wait3A_77] : memref<4x200x128xf32, #tpu.memory_space<vmem>> -> memref<1x200x128xf32, #tpu.memory_space<vmem>>
    %dma_wait3A_79 = tpu.memref_squeeze %dma_wait3A_78 : memref<1x200x128xf32, #tpu.memory_space<vmem>> -> memref<200x128xf32, #tpu.memory_space<vmem>>
    tpu.wait_dma2 semaphore(%arg13 : memref<!tpu.dma_semaphore, #tpu.memory_space<semaphore_mem>>) src(%dma_wait3A_79 : memref<200x128xf32, #tpu.memory_space<vmem>>) dst(%dma_wait3A_75 : memref<200x128xf32, #tpu.memory_space<hbm>>)
    %add3A_80 = arith.constant 25400 : i32
    %add3A_81 = arith.addi %mul3A_2, %add3A_80 : i32
    %dma_wait3A_82 = arith.constant 3 : i32
    %dma_wait3A_83 = arith.constant 0 : i32
    %dma_wait3A_84 = arith.constant 0 : i32
    %dma_wait3A_85 = tpu.memref_slice %arg6[%dma_wait3A_82, %dma_wait3A_83, %dma_wait3A_84] : memref<4x200x128xf32, #tpu.memory_space<vmem>> -> memref<1x200x128xf32, #tpu.memory_space<vmem>>
    %dma_wait3A_86 = tpu.memref_squeeze %dma_wait3A_85 : memref<1x200x128xf32, #tpu.memory_space<vmem>> -> memref<200x128xf32, #tpu.memory_space<vmem>>
    %dma_wait3A_87 = arith.constant 0 : i32
    %dma_wait3A_88 = tpu.memref_slice %arg4[%add3A_81, %dma_wait3A_87] : memref<819200x128xf32, #tpu.memory_space<hbm>> -> memref<200x128xf32, #tpu.memory_space<hbm>>
    %dma_wait3A_89 = arith.constant 0 : i32
    %dma_wait3A_90 = tpu.memref_slice %arg4[%add3A_81, %dma_wait3A_89] : memref<819200x128xf32, #tpu.memory_space<hbm>> -> memref<200x128xf32, #tpu.memory_space<hbm>>
    %dma_wait3A_91 = arith.constant 0 : i32
    %dma_wait3A_92 = arith.constant 0 : i32
    %dma_wait3A_93 = tpu.memref_slice %arg6[%dma_wait3A_82, %dma_wait3A_91, %dma_wait3A_92] : memref<4x200x128xf32, #tpu.memory_space<vmem>> -> memref<1x200x128xf32, #tpu.memory_space<vmem>>
    %dma_wait3A_94 = tpu.memref_squeeze %dma_wait3A_93 : memref<1x200x128xf32, #tpu.memory_space<vmem>> -> memref<200x128xf32, #tpu.memory_space<vmem>>
    tpu.wait_dma2 semaphore(%arg14 : memref<!tpu.dma_semaphore, #tpu.memory_space<semaphore_mem>>) src(%dma_wait3A_94 : memref<200x128xf32, #tpu.memory_space<vmem>>) dst(%dma_wait3A_90 : memref<200x128xf32, #tpu.memory_space<hbm>>)
    return
  }
}

</mosaic_0001>

<sc_bundles>
// kernel: kernel.3.cloned.1.call-start
scs
__scs_entry_jumppad:
0x0: {  	(pc) =	sbr.rel $0x88, $3  }
0x1: {  	(tag) =	ssettag $0x0;
	lr =	simm.s32 $0x1  }
0x2: {  	[smem:$0x3F9F] =	sst lr;
	_ =	strace $0xD0000000  }
0x3: {  	_ = 	snop  }
0x4: {  	_ = 	snop  }
0x5: {  	_ = 	snop  }
0x6: {  	_ = 	snop  }
0x7: {  	_ = 	snop  }
__scs_overlays_trampoline_lowered:
0x8: {  	[smem:$0x3FAE] =	sst s0  }
0x9: {  	[smem:$0x3FAF] =	sst s1  }
0xa: {  	[smem:$0x3FB0] =	sst s2  }
0xb: {  	[smem:$0x3FB1] =	sst s3  }
0xc: {  	[smem:$0x3FB2] =	sst s4  }
0xd: {  	[smem:$0x3FB3] =	sst s5  }
0xe: {  	[smem:$0x3FB4] =	sst s6  }
0xf: {  	[smem:$0x3FB5] =	sst s7  }
0x10: {  	[smem:$0x3FB6] =	sst s8  }
0x11: {  	[smem:$0x3FB7] =	sst s9;
	s0 =	simm.s32 @!p0 $0x0  }
0x12: {  	s1 =	sld [smem:$0x3F9D];
	s0 =	simm.s32 @p0 $0x1  }
0x13: {  	[smem:$0x3FB8] =	sst s0;
	s0 =	simm.s32 @!p1 $0x0  }
0x14: {  	s2 =	sld [smem:$0x3F9C];
	s0 =	simm.s32 @p1 $0x1  }
0x15: {  	[smem:$0x3FB9] =	sst s0;
	s0 =	simm.s32 @!p2 $0x0  }
0x16: {  	s3 =	sld [smem:$0x3FDB];
	s0 =	simm.s32 @p2 $0x1  }
0x17: {  	s4 =	simm.s32 $0x1BF5;
	[smem:$0x3FBB] =	sst s0  }
0x18: {  	s0 =	sld [smem:$0x3F9E];
	_ =	swait.ge [sflag:s4], $0x0  }
0x19: {  	s7 =	sld [smem:$0x3F9F]  }
0x1a: {  	s8 =	sadd.s32 $0xFFFFE003, lr  }
0x1b: {  	s9 =	sadd.s32 $0xFFFFFEF7, lr;
	s5 =	simm.s32 $0xFFFFFFFF;
	p2 =	slt.u32 s8, $0xFFFFF086  }
0x1c: {  	p1 =	slt.u32 s9, $0xF7A;
	s5 =	simm.s32 @!p2 $0x0  }
0x1d: {  	s5 =	simm.s32 @p1 $0x1;
	p0 =	seq.s32 s7, s2  }
0x1e: {  	s7 =	smul.u32 @!p0 $0xF7A, s2;
	p2 =	seq.s32 @!p0 s5, $0x0  }
0x1f: {  	s9 =	smul.u32 $0xF7A, s1;
	s8 =	simm.s32 @!p0 $0x1BF5;
	p2 =	por !p2, p0  }
0x20: {  	[sflag:s8] =	ssyncset.s32 @!p0 $0xFFFFF086;
	s6 =	sadd.s32 @!p0 s3, s7;
	s7 =	simm.s32 @!p0 $0x108  }
0x21: {  	s3 =	sadd.s32 s3, s9;
	s6 =	sadd.s32 @!p0 $0x88, s6;
	s7 =	simm.s32 @p2 $0x1082  }
0x22: {  	[simem:s7], [sflag:s8] =	dma.local @!p0 [hbm:s6], $0xF7A  }
0x23: {  	s9 =	sor.u32 $0xD0000000, s2;
	s6 =	simm.s32 $0x108;
	_ =	swait.ge @!p0 [sflag:s8], $0x0  }
0x24: {  	s3 =	sadd.s32 $0x88, s3;
	s6 =	simm.s32 @!p1 $0x1082;
	[sflag:s4] =	ssyncset.s32 $0xFFFFF086  }
0x25: {  	[simem:s6], [sflag:s4] =	dma.local [hbm:s3], $0xF7A  }
0x26: {  	[smem:$0x3F9F] =	sst s1;
	(tag) =	ssettag s2;
	_ =	strace s9  }
0x27: {  	s1 =	sld [smem:$0x3FAF]  }
0x28: {  	s2 =	sld [smem:$0x3FB0]  }
0x29: {  	s4 =	sld [smem:$0x3FB2]  }
0x2a: {  	p0 =	seq.s32 s5, $0x0;
	s5 =	sld [smem:$0x3FB3]  }
0x2b: {  	s6 =	sld [smem:$0x3FB4]  }
0x2c: {  	s7 =	sld [smem:$0x3FB5]  }
0x2d: {  	s3 =	simm.s32 $0x108;
	s8 =	sld [smem:$0x3FB6]  }
0x2e: {  	s3 =	simm.s32 @!p0 $0x1082;
	s9 =	sld [smem:$0x3FB7]  }
0x2f: {  	lr =	sadd.s32 s0, s3;
	s0 =	sld [smem:$0x3FAE]  }
0x30: {  	s3 =	sld [smem:$0x3FB1]  }
0x31: {  	[smem:$0x3FBA] =	sst s10  }
0x32: {  	s10 =	sld [smem:$0x3FB8];
	_ =	sdelay $0x3  }
0x33: {  	p0 =	seq.s32 s10, $0x1;
	s10 =	sld [smem:$0x3FBA];
	_ =	sdelay $0x3  }
0x34: {  	[smem:$0x3FBA] =	sst s10  }
0x35: {  	s10 =	sld [smem:$0x3FB9];
	_ =	sdelay $0x3  }
0x36: {  	p1 =	seq.s32 s10, $0x1;
	s10 =	sld [smem:$0x3FBA];
	_ =	sdelay $0x3  }
0x37: {  	[smem:$0x3FBA] =	sst s10  }
0x38: {  	s10 =	sld [smem:$0x3FBB]  }
0x39: {  	_ = 	snop;
	(pc) =	sbr.ind lr, $3  }
0x3a: {  	_ = 	snop  }
0x3b: {  	_ = 	snop  }
0x3c: {  	p2 =	seq.s32 s10, $0x1;
	s10 =	sld [smem:$0x3FBA]  }
0x3d: {  	_ =	shalt  }
0x3e: {  	_ =	shalt  }
0x3f: {  	_ =	shalt  }
0x40: {  	_ =	shalt  }
0x41: {  	_ =	shalt  }
0x42: {  	_ =	shalt  }
0x43: {  	_ =	shalt  }
0x44: {  	_ =	shalt  }
0x45: {  	_ =	shalt  }
0x46: {  	_ =	shalt  }
0x47: {  	_ =	shalt  }
0x48: {  	_ =	shalt  }
0x49: {  	_ =	shalt  }
0x4a: {  	_ =	shalt  }
0x4b: {  	_ =	shalt  }
0x4c: {  	_ =	shalt  }
0x4d: {  	_ =	shalt  }
0x4e: {  	_ =	shalt  }
0x4f: {  	_ =	shalt  }
0x50: {  	_ =	shalt  }
0x51: {  	_ =	shalt  }
0x52: {  	_ =	shalt  }
0x53: {  	_ =	shalt  }
0x54: {  	_ =	shalt  }
0x55: {  	_ =	shalt  }
0x56: {  	_ =	shalt  }
0x57: {  	_ =	shalt  }
0x58: {  	_ =	shalt  }
0x59: {  	_ =	shalt  }
0x5a: {  	_ =	shalt  }
0x5b: {  	_ =	shalt  }
0x5c: {  	_ =	shalt  }
0x5d: {  	_ =	shalt  }
0x5e: {  	_ =	shalt  }
0x5f: {  	_ =	shalt  }
0x60: {  	_ =	shalt  }
0x61: {  	_ =	shalt  }
0x62: {  	_ =	shalt  }
0x63: {  	_ =	shalt  }
0x64: {  	_ =	shalt  }
0x65: {  	_ =	shalt  }
0x66: {  	_ =	shalt  }
0x67: {  	_ =	shalt  }
0x68: {  	_ =	shalt  }
0x69: {  	_ =	shalt  }
0x6a: {  	_ =	shalt  }
0x6b: {  	_ =	shalt  }
0x6c: {  	_ =	shalt  }
0x6d: {  	_ =	shalt  }
0x6e: {  	_ =	shalt  }
0x6f: {  	_ =	shalt  }
0x70: {  	_ =	shalt  }
0x71: {  	_ =	shalt  }
0x72: {  	_ =	shalt  }
0x73: {  	_ =	shalt  }
0x74: {  	_ =	shalt  }
0x75: {  	_ =	shalt  }
0x76: {  	_ =	shalt  }
0x77: {  	_ =	shalt  }
0x78: {  	_ =	shalt  }
0x79: {  	_ =	shalt  }
0x7a: {  	_ =	shalt  }
0x7b: {  	_ =	shalt  }
0x7c: {  	_ =	shalt  }
0x7d: {  	_ =	shalt  }
0x7e: {  	_ =	shalt  }
0x7f: {  	_ =	shalt  }
0x80: {  	_ =	shalt  }
0x81: {  	_ =	shalt  }
0x82: {  	_ =	shalt  }
0x83: {  	_ =	shalt  }
0x84: {  	_ =	shalt  }
0x85: {  	_ =	shalt  }
0x86: {  	_ =	shalt  }
0x87: {  	_ =	shalt  }
.Lfunc_end0:
.L_simem_size_0:
called_computation_lowered:
.L_overlay_start_0:
0x88: {  	s2 =	sld [smem:$0x3FD9]  }
0x89: {  	s3 =	sld [smem:$0x3FFE];
	_ =	sdelay $0x1  }
0x8a: {  	s1 =	srdreg.scid  }
0x8b: {  	s0 =	sand.u32 $0x1, s1  }
0x8c: {  	s17 =	sshll.u32 s0, $0xA;
	s2 =	sadd.s32 s3, s2  }
0x8d: {  	s2 =	sadd.s32 s2, s17  }
0x8e: {  	[smem:$0x3FC6] =	sst s2  }
0x8f: {  	_ = 	snop  }
0x90: {  	s2 =	sld [smem:$0x3FC8]  }
0x91: {  	s18 =	sld [smem:$0x3FD0];
	(tm) =	ssettm $0x1  }
0x92: {  	s4 =	sld [smem:$0x3FFB];
	_ =	sdelay $0x3  }
0x93: {  	_ =	strace s4  }
0x94: {  	s4 =	sld [smem:$0x3FFC];
	_ =	sdelay $0x3  }
0x95: {  	_ =	strace s4  }
0x96: {  	s4 =	sld [smem:$0x3FFD];
	_ =	sdelay $0x3  }
0x97: {  	_ =	strace s4  }
0x98: {  	_ =	strace $0x8FFFFFFF  }
0x99: {  	s19 =	sld [smem:$0x3FDB];
	_ =	sdelay $0x1  }
0x9a: {  	s5 =	simm.s32 $_scs_section_size  }
0x9b: {  	s6 =	simm.s32 $_size__tile_overlayer_lowered;
	s7 =	simm.s32 $_tile_overlayer_lowered  }
0x9c: {  	s22 =	simm.s32 $0x1BFF;
	s21 =	sshll.u32 s7, $0x1;
	s4 =	sadd.s32 s5, s19  }
0x9d: {  	s8 =	simm.s32 $0x0;
	s20 =	sshll.u32 s6, $0x1;
	s6 =	sadd.s32 s21, s4  }
0x9e: {  	[timem:s8], [sflag:s22] =	dma.local [hbm:s6], s20  }
0x9f: {  	_ =	swait.ge [sflag:s22], s20  }
0xa0: {  	s5 =	ssub.s32 $0x0, s20;
	[sflag:s22] =	ssyncset.done $0x0  }
0xa1: {  	[sflag:s22] =	ssyncadd.s32 s5;
	_ =	sdelay $0x1  }
0xa2: {  	s23 =	simm.s32 $0x1B8B  }
0xa3: {  	_ =	swait.ge [sflag:s23], $0x1  }
0xa4: {  	[sflag:s23] =	ssyncset.done $0x0  }
0xa5: {  	s25 =	simm.s32 $0x1B8E;
	s24 =	sld [smem:$0x3FFE];
	[sflag:s23] =	ssyncadd.s32 $0xFFFFFFFF  }
0xa6: {  	s26 =	simm.s32 $execute0_lowered;
	[smem:$0x3FD2] =	sst s25  }
0xa7: {  	s6 =	sshll.u32 s26, $0x1;
	_ =	strace $0x80000046;
	[dreg:$0x1] =	wrdreg $0xFFFFFFFF  }
0xa8: {  	s28 =	simm.s32 $_size_execute0_lowered;
	s4 =	sadd.s32 s4, s6;
	[dreg:$0x0] =	wrdreg $0x0  }
0xa9: {  	s6 =	sshll.u32 s28, $0x1;
	[dreg:$0x2] =	wrdreg s4  }
0xaa: {  	[dreg:$0x3] =	wrdreg s6  }
0xab: {  	[dreg:$0x4] =	wrdreg $0xC0  }
0xac: {  	_ =	task [dreg:s8], $0x5FFFF  }
0xad: {  	[dreg:$0x1] =	wrdreg $0xFFFFFFFF  }
0xae: {  	[dreg:$0x0] =	wrdreg $0x60  }
0xaf: {  	[dreg:$0x2] =	wrdreg s2  }
0xb0: {  	[dreg:$0x3] =	wrdreg s24  }
0xb1: {  	[dreg:$0x4] =	wrdreg s18  }
0xb2: {  	[dreg:$0x5] =	wrdreg $0x9  }
0xb3: {  	_ =	task.clear_ibuf [dreg:s8], $0x6FFFF;
	_ =	strace $0x90000046  }
0xb4: {  	s29 =	simm.s32 $0x9;
	_ =	strace $0x80000048  }
0xb5: {  	_ =	swait.ge [sflag:s29], $0x1  }
0xb6: {  	[sflag:s29] =	ssyncadd.s32 $0xFFFFFFFF  }
0xb7: {  	_ =	strace $0x90000048  }
0xb8: {  	_ =	sfence  }
0xb9: {  	s30 =	sld [smem:$0x0];
	_ =	sdelay $0x2  }
0xba: {  	s31 =	sshll.u32 s1, $0xD;
	s1 =	sshrl.u32 s1, $0x2  }
0xbb: {  	s3 =	sand.u32 $0x4000, s31;
	s1 =	sadd.s32 s1, s30  }
0xbc: {  	s0 =	sor.u32 s3, s0;
	s1 =	sshll.u32 s1, $0x11  }
0xbd: {  	s0 =	sor.u32 s1, s0  }
0xbe: {  	s0 =	sadd.s32 $0x8F2B, s0  }
0xbf: {  	[sflag:s0] =	ssyncadd.remote.s32 $0x1  }
0xc0: {  	_ =	sfence.sel $0xFFFF  }
0xc1: {  	[dreg:$0x0] =	wrdreg $0xFFFFFFFF;
	(pc) =	sbr.abs _section_cstart, $3  }
0xc2: {  	[dreg:$0x1] =	wrdreg $0xFFFFFFFF  }
0xc3: {  	_ =	task.clear_ibuf [dreg:s8], $0x2FFFF;
	_ =	strace $0x9FFFFFFF  }
0xc4: {  	(tm) =	ssettm $0x7FFFFFFF  }
0xc5: {  	_ =	shalt  }
tec
execute0_lowered:
.L_overlay_start_1:
0x0: {  	(tag) =	ssettag $0x1  }
0x1: {  	s0 =	srdreg.scid  }
0x2: {  	s3 =	stileid.u32;
	s1 =	rddreg [dreg:$0x0]  }
0x3: {  	s5 =	rddreg [dreg:$0x1];
	s12 =	simm.s32 $0x9;
	s13 =	simm.s32 $0xC8  }
0x4: {  	s14 =	simm.s32 $0x6400;
	s15 =	simm.s32 $0xC800;
	s16 =	simm.s32 $0x190  }
0x5: {  	s17 =	simm.s32 $0x12C00;
	s18 =	simm.s32 $0x19000;
	s19 =	simm.s32 $0x1  }
0x6: {  	s20 =	simm.s32 $0x2;
	s21 =	simm.s32 $0x3;
	s22 =	simm.s32 $0x4  }
0x7: {  	s23 =	simm.s32 $0x5;
	s0 =	sand.u32 $0x1, s0;
	s2 =	sshll.u32 s3, $0x1  }
0x8: {  	s24 =	simm.s32 $0x6;
	s3 =	sshrl.u32 s3, $0x2;
	s2 =	sor.u32 s0, s2  }
0x9: {  	s25 =	simm.s32 $0x7;
	s6 =	smul.u32 $0x32000, s3;
	s4 =	sshll.u32 s2, $0x7  }
0xa: {  	s26 =	simm.s32 $0x8;
	s0 =	ssub.s32 $0x2, s0;
	s7 =	sand.u32 $0x380, s4  }
0xb: {  	s28 =	simm.s32 $0x0;
	s31 =	sshrl.u32 s0, $0x1;
	s6 =	sor.u32 s6, s7  }
0xc: {  	s4 =	simm.s32 $0x0;
	s0 =	ssub.s32 s0, s31;
	s6 =	sshrl.u32 s6, $0x3  }
0xd: {  	[smem:$0x7FF] =	sst s4;
	s6 =	sadd.s32 s6, s5;
	s5 =	smul.u32 $0x6400, s2  }
0xe: {  	s3 =	rddreg [dreg:$0x2];
	s9 =	smax.u32 s0, $0x1;
	_ =	strace $0x80000047  }
0xf: {  	s6 =	sadd.s32 $0x400, s6;
	s7 =	sor.u32 $0xC8, s5;
	s8 =	sor.u32 $0x190, s5  }
.LBB2_1:
0x10: {  	s0 =	simm.s32 $0x80;
	s2 =	simm.s32 $0x400  }
0x11: {  	[tilespmem:s4], [sflag:$0x9] =	stream.strided.gather [hbm4b:s6+s0], $0x6400, s2, s0, $0x38;
	[tilespmem:$0x1F400] =	vst v63  }
0x12: {  	_ =	swait.ge [sflag:s12], $0x6400  }
0x13: {  	[sflag:s12] =	ssyncset.done $0x0  }
0x14: {  	[sflag:s12] =	ssyncadd.s32 $0xFFFF9C00  }
0x15: {  	[tilespmem:s14], [sflag:$0x1] =	stream.indirect.gather [hbm4b:s1+s13], $0x80, s4, s13, $0xb8;
	[tilespmem:$0x1F400] =	vst v63  }
0x16: {  	_ = 	snop  }
0x17: {  	[tilespmem:s15], [sflag:$0x2] =	stream.indirect.gather [hbm4b:s1+s13], $0x80, s13, s13, $0xb8;
	[tilespmem:$0x1F400] =	vst v63  }
0x18: {  	s29 =	simm.s32 $0x0  }
0x19: {  	[tilespmem:s17], [sflag:$0x3] =	stream.indirect.gather [hbm4b:s1+s13], $0x80, s16, s13, $0xb8;
	[tilespmem:$0x1F400] =	vst v63  }
.LBB2_2:
0x1a: {  	p0 =	seq.s32 s29, $0x0  }
0x1b: {  	s30 =	sshllo.u32 s29, $0x2;
	s0 =	simm.s32 @!p0 $0x8  }
0x1c: {  	s2 =	smul.u32 $0x320, s30;
	_ =	swait.ge @!p0 [sflag:s0], $0x6400  }
0x1d: {  	[sflag:s0] =	ssyncset.done @!p0 $0x0  }
0x1e: {  	s31 =	sshra.s32 s2, $0x2;
	[sflag:s0] =	ssyncadd.s32 @!p0 $0xFFFF9C00  }
0x1f: {  	[tilespmem:s18], [sflag:$0x4] =	stream.indirect.gather [hbm4b:s1+s13], $0x80, s31, s13, $0xb8;
	[tilespmem:$0x1F400] =	vst v63  }
0x20: {  	_ =	swait.ge [sflag:s19], $0x6400  }
0x21: {  	[sflag:s19] =	ssyncset.done $0x0  }
0x22: {  	s2 =	simm.s32 $0x6480;
	[sflag:s19] =	ssyncadd.s32 $0xFFFF9C00  }
0x23: {  	v0 =	vld [tilespmem:s2+$0xFFFFFF80]  }
0x24: {  	v1 =	vld [tilespmem:s2+$0xFFFFFF90]  }
0x25: {  	v2 =	vld [tilespmem:s2+$0xFFFFFFA0]  }
0x26: {  	v3 =	vld [tilespmem:s2+$0xFFFFFFB0]  }
0x27: {  	v4 =	vld [tilespmem:s2+$0xFFFFFFC0]  }
0x28: {  	v5 =	vld [tilespmem:s2+$0xFFFFFFD0];
	v0 =	vmul.f32 $1.131370830e+01, v0  }
0x29: {  	v6 =	vld [tilespmem:s2+$0xFFFFFFE0];
	v1 =	vmul.f32 $1.131370830e+01, v1  }
0x2a: {  	[tilespmem:s2+$0xFFFFFF80] =	vst v0;
	v0 =	vmul.f32 $1.131370830e+01, v2;
	v2 =	vld [tilespmem:s2+$0x0]  }
0x2b: {  	[tilespmem:s2+$0xFFFFFF90] =	vst v1;
	v1 =	vmul.f32 $1.131370830e+01, v3;
	v3 =	vld [tilespmem:s2+$0x10]  }
0x2c: {  	[tilespmem:s2+$0xFFFFFFA0] =	vst v0;
	v0 =	vmul.f32 $1.131370830e+01, v4;
	v4 =	vld [tilespmem:s2+$0x20]  }
0x2d: {  	v7 =	vld [tilespmem:s2+$0x30];
	[tilespmem:s2+$0xFFFFFFB0] =	vst v1;
	v1 =	vmul.f32 $1.131370830e+01, v5  }
0x2e: {  	v5 =	vmul.f32 $1.131370830e+01, v6;
	[tilespmem:s2+$0xFFFFFFC0] =	vst v0;
	v0 =	vld [tilespmem:s2+$0x40]  }
0x2f: {  	[tilespmem:s2+$0xFFFFFFD0] =	vst v1;
	v1 =	vmul.f32 $1.131370830e+01, v2;
	v2 =	vld [tilespmem:s2+$0x50]  }
0x30: {  	[tilespmem:s2+$0xFFFFFFE0] =	vst v5;
	v6 =	vmul.f32 $1.131370830e+01, v3;
	v3 =	vld [tilespmem:s2+$0x60]  }
0x31: {  	[tilespmem:s2+$0x0] =	vst v1;
	v5 =	vmul.f32 $1.131370830e+01, v4;
	v4 =	vld [tilespmem:s2+$0x70]  }
0x32: {  	s10 =	simm.s32 $0x6580;
	s0 =	simm.s32 $0x0;
	v1 =	vld [tilespmem:s2+$0xFFFFFFF0];
	[tilespmem:s2+$0x10] =	vst v6;
	v6 =	vmul.f32 $1.131370830e+01, v7  }
.LBB2_3:
0x33: {  	v7 =	vld [tilespmem:s10+$0xFFFFFF80];
	[tilespmem:s2+$0x20] =	vst v5;
	v0 =	vmul.f32 $1.131370830e+01, v0  }
0x34: {  	v5 =	vld [tilespmem:s10+$0xFFFFFF90];
	[tilespmem:s2+$0x30] =	vst v6;
	v2 =	vmul.f32 $1.131370830e+01, v2  }
0x35: {  	v6 =	vld [tilespmem:s10+$0xFFFFFFA0];
	[tilespmem:s2+$0x40] =	vst v0;
	v0 =	vmul.f32 $1.131370830e+01, v3  }
0x36: {  	v3 =	vld [tilespmem:s10+$0xFFFFFFB0];
	[tilespmem:s2+$0x50] =	vst v2;
	v2 =	vmul.f32 $1.131370830e+01, v4  }
0x37: {  	v4 =	vld [tilespmem:s10+$0xFFFFFFC0];
	v1 =	vmul.f32 $1.131370830e+01, v1;
	[tilespmem:s2+$0x60] =	vst v0  }
0x38: {  	v0 =	vmul.f32 $1.131370830e+01, v7;
	v7 =	vld [tilespmem:s10+$0xFFFFFFD0];
	[tilespmem:s2+$0x70] =	vst v2  }
0x39: {  	v2 =	vmul.f32 $1.131370830e+01, v5;
	v5 =	vld [tilespmem:s10+$0xFFFFFFE0];
	[tilespmem:s2+$0xFFFFFFF0] =	vst v1;
	s2 =	smov.u32 s10  }
0x3a: {  	[tilespmem:s10+$0xFFFFFF80] =	vst v0;
	v0 =	vmul.f32 $1.131370830e+01, v6;
	v1 =	vld [tilespmem:s10+$0x0]  }
0x3b: {  	[tilespmem:s10+$0xFFFFFF90] =	vst v2;
	v2 =	vmul.f32 $1.131370830e+01, v3;
	v3 =	vld [tilespmem:s10+$0x10]  }
0x3c: {  	s0 =	sadd.s32 $0x2, s0;
	[tilespmem:s10+$0xFFFFFFA0] =	vst v0;
	v0 =	vmul.f32 $1.131370830e+01, v4;
	v4 =	vld [tilespmem:s10+$0x20]  }
0x3d: {  	p0 =	slt.u32 s0, $0xC6;
	[tilespmem:s10+$0xFFFFFFB0] =	vst v2;
	v2 =	vmul.f32 $1.131370830e+01, v7;
	v6 =	vld [tilespmem:s10+$0x30]  }
.Ltmp0:
0x3e: {  	[tilespmem:s10+$0xFFFFFFC0] =	vst v0;
	v5 =	vmul.f32 $1.131370830e+01, v5;
	v0 =	vld [tilespmem:s10+$0x40];
	(pc) =	sbr.rel @p0 .LBB2_3-.Ltmp0, $4  }
0x3f: {  	[tilespmem:s10+$0xFFFFFFD0] =	vst v2;
	v1 =	vmul.f32 $1.131370830e+01, v1;
	v2 =	vld [tilespmem:s10+$0x50]  }
0x40: {  	[tilespmem:s10+$0xFFFFFFE0] =	vst v5;
	v7 =	vmul.f32 $1.131370830e+01, v3;
	v3 =	vld [tilespmem:s10+$0x60]  }
0x41: {  	[tilespmem:s10+$0x0] =	vst v1;
	v5 =	vmul.f32 $1.131370830e+01, v4;
	v4 =	vld [tilespmem:s10+$0x70]  }
0x42: {  	s10 =	sadd.s32 $0x100, s10;
	v1 =	vld [tilespmem:s2+$0xFFFFFFF0];
	[tilespmem:s2+$0x10] =	vst v7;
	v6 =	vmul.f32 $1.131370830e+01, v6  }
0x43: {  	[tilespmem:s2+$0x20] =	vst v5;
	v0 =	vmul.f32 $1.131370830e+01, v0  }
0x44: {  	[tilespmem:s2+$0x30] =	vst v6;
	v2 =	vmul.f32 $1.131370830e+01, v2  }
0x45: {  	s31 =	smul.u32 $0x320, s29;
	[tilespmem:s2+$0x40] =	vst v0;
	v0 =	vmul.f32 $1.131370830e+01, v3  }
0x46: {  	[tilespmem:s2+$0x50] =	vst v2;
	v2 =	vmul.f32 $1.131370830e+01, v4  }
0x47: {  	s0 =	sadd.s32 s5, s31;
	v1 =	vmul.f32 $1.131370830e+01, v1;
	[tilespmem:s2+$0x60] =	vst v0  }
0x48: {  	s0 =	sshll.u32 s0, $0x4;
	[tilespmem:s2+$0x70] =	vst v2  }
0x49: {  	p0 =	seq.s32 s29, $0x1F;
	s0 =	sadd.s32 s3, s0;
	[tilespmem:s2+$0xFFFFFFF0] =	vst v1  }
0x4a: {  	[hbm4b:s0+s4] =	stream.linear.scatter [tilespmem:s14], [sflag:$0x5], $0x6400, $0x38;
	[tilespmem:$0x1F400] =	vst v63  }
0x4b: {  	s2 =	smul.u32 @!p0 $0xC80, s29;
	s0 =	simm.s32 @!p0 $0x5  }
0x4c: {  	_ =	swait.ge @!p0 [sflag:s0], $0x6400  }
0x4d: {  	s10 =	simm.s32 @!p0 $0xC8;
	s2 =	sshra.s32 @!p0 s2, $0x2;
	[sflag:s0] =	ssyncset.done @!p0 $0x0  }
0x4e: {  	s11 =	simm.s32 @!p0 $0x6400;
	[sflag:s0] =	ssyncadd.s32 @!p0 $0xFFFF9C00;
	s0 =	sadd.s32 @!p0 $0x320, s2  }
0x4f: {  	[tilespmem:s11], [sflag:$0x1] =	stream.indirect.gather @!p0 [hbm4b:s1+s10], $0x80, s0, s10, $0xb8;
	[tilespmem:$0x1F400] =	vst v63  }
0x50: {  	_ =	swait.ge [sflag:s20], $0x6400  }
0x51: {  	[sflag:s20] =	ssyncset.done $0x0  }
0x52: {  	s0 =	simm.s32 $0xC800;
	[sflag:s20] =	ssyncadd.s32 $0xFFFF9C00  }
0x53: {  	v1 =	vld [tilespmem:s0+$0xA0]  }
0x54: {  	v2 =	vld [tilespmem:s0+$0x40]  }
0x55: {  	v3 =	vld [tilespmem:s0+$0xE0]  }
0x56: {  	v4 =	vld [tilespmem:s0+$0xD0]  }
0x57: {  	v5 =	vld [tilespmem:s0+$0x20]  }
0x58: {  	v0 =	vld [tilespmem:s0+$0x90]  }
0x59: {  	v8 =	vld [tilespmem:s0+$0xC0]  }
0x5a: {  	v7 =	vld [tilespmem:s0+$0x10]  }
0x5b: {  	v9 =	vld [tilespmem:s0+$0x0];
	v1 =	vmul.f32 $1.131370830e+01, v1  }
0x5c: {  	v11 =	vld [tilespmem:s0+$0x50];
	v4 =	vmul.f32 $1.131370830e+01, v4  }
0x5d: {  	v10 =	vld [tilespmem:s0+$0xB0];
	v12 =	vmul.f32 $1.131370830e+01, v5;
	[tilespmem:s0+$0xA0] =	vst v1  }
0x5e: {  	v6 =	vld [tilespmem:s0+$0xF0];
	v13 =	vmul.f32 $1.131370830e+01, v8;
	[tilespmem:s0+$0xD0] =	vst v4  }
0x5f: {  	v1 =	vmul.f32 $1.131370830e+01, v2;
	v2 =	vmul.f32 $1.131370830e+01, v3;
	v3 =	vld [tilespmem:s0+$0x80];
	[tilespmem:s0+$0x20] =	vst v12  }
0x60: {  	v4 =	vld [tilespmem:s0+$0x70];
	[tilespmem:s0+$0xC0] =	vst v13  }
0x61: {  	v8 =	vmul.f32 $1.131370830e+01, v9;
	v5 =	vld [tilespmem:s0+$0x60];
	v9 =	vmul.f32 $1.131370830e+01, v11;
	[tilespmem:s0+$0x40] =	vst v1  }
0x62: {  	s10 =	simm.s32 $0x0;
	s11 =	simm.s32 $0xC900;
	[tilespmem:s0+$0xE0] =	vst v2;
	v1 =	vmul.f32 $1.131370830e+01, v7;
	v7 =	vld [tilespmem:s0+$0x30];
	v2 =	vmul.f32 $1.131370830e+01, v10  }
.LBB2_5:
0x63: {  	v10 =	vld [tilespmem:s11+$0xA0];
	s10 =	sadd.s32 $0x2, s10;
	[tilespmem:s0+$0x0] =	vst v8;
	v0 =	vmul.f32 $1.131370830e+01, v0;
	v6 =	vmul.f32 $1.131370830e+01, v6  }
0x64: {  	v8 =	vld [tilespmem:s11+$0x40];
	p1 =	slt.u32 s10, $0xC6;
	[tilespmem:s0+$0x50] =	vst v9;
	v3 =	vmul.f32 $1.131370830e+01, v3  }
0x65: {  	v9 =	vld [tilespmem:s11+$0xE0];
	v4 =	vmul.f32 $1.131370830e+01, v4;
	[tilespmem:s0+$0xF0] =	vst v6  }
0x66: {  	v11 =	vld [tilespmem:s11+$0x20];
	v5 =	vmul.f32 $1.131370830e+01, v5;
	[tilespmem:s0+$0x80] =	vst v3  }
0x67: {  	v3 =	vld [tilespmem:s11+$0xD0];
	v6 =	vmul.f32 $1.131370830e+01, v7;
	[tilespmem:s0+$0x90] =	vst v0  }
0x68: {  	v0 =	vld [tilespmem:s11+$0x90];
	v7 =	vmul.f32 $1.131370830e+01, v10;
	[tilespmem:s0+$0x10] =	vst v1  }
0x69: {  	v1 =	vld [tilespmem:s11+$0x10];
	[tilespmem:s0+$0x30] =	vst v6  }
0x6a: {  	v10 =	vld [tilespmem:s11+$0xC0];
	v9 =	vmul.f32 $1.131370830e+01, v9;
	[tilespmem:s0+$0xB0] =	vst v2  }
0x6b: {  	v2 =	vld [tilespmem:s11+$0x0];
	[tilespmem:s0+$0x70] =	vst v4  }
0x6c: {  	v12 =	vld [tilespmem:s11+$0xB0];
	v3 =	vmul.f32 $1.131370830e+01, v3;
	[tilespmem:s0+$0x60] =	vst v5;
	s0 =	smov.u32 s11  }
0x6d: {  	v13 =	vld [tilespmem:s11+$0x50];
	[tilespmem:s11+$0xA0] =	vst v7  }
.Ltmp1:
0x6e: {  	v4 =	vmul.f32 $1.131370830e+01, v8;
	[tilespmem:s11+$0xD0] =	vst v3;
	v6 =	vld [tilespmem:s11+$0xF0];
	(pc) =	sbr.rel @p1 .LBB2_5-.Ltmp1, $4  }
0x6f: {  	v3 =	vld [tilespmem:s11+$0x80];
	v7 =	vmul.f32 $1.131370830e+01, v10;
	[tilespmem:s11+$0xE0] =	vst v9  }
0x70: {  	v9 =	vmul.f32 $1.131370830e+01, v11;
	[tilespmem:s11+$0x40] =	vst v4;
	v4 =	vld [tilespmem:s11+$0x70]  }
0x71: {  	v1 =	vmul.f32 $1.131370830e+01, v1;
	v8 =	vmul.f32 $1.131370830e+01, v2;
	v5 =	vld [tilespmem:s11+$0x60];
	[tilespmem:s11+$0xC0] =	vst v7  }
0x72: {  	v2 =	vmul.f32 $1.131370830e+01, v12;
	s11 =	sadd.s32 $0x100, s11;
	[tilespmem:s0+$0x20] =	vst v9;
	v7 =	vld [tilespmem:s0+$0x30];
	v9 =	vmul.f32 $1.131370830e+01, v13  }
0x73: {  	[tilespmem:s0+$0x0] =	vst v8  }
0x74: {  	[tilespmem:s0+$0x10] =	vst v1  }
0x75: {  	v6 =	vmul.f32 $1.131370830e+01, v6;
	[tilespmem:s0+$0x50] =	vst v9  }
0x76: {  	v0 =	vmul.f32 $1.131370830e+01, v0;
	[tilespmem:s0+$0xB0] =	vst v2  }
0x77: {  	v3 =	vmul.f32 $1.131370830e+01, v3;
	[tilespmem:s0+$0xF0] =	vst v6  }
0x78: {  	[tilespmem:s0+$0x90] =	vst v0;
	v0 =	vmul.f32 $1.131370830e+01, v4  }
0x79: {  	[tilespmem:s0+$0x80] =	vst v3;
	v1 =	vmul.f32 $1.131370830e+01, v5  }
0x7a: {  	s10 =	sadd.s32 s31, s7;
	v3 =	vmul.f32 $1.131370830e+01, v7;
	[tilespmem:s0+$0x70] =	vst v0  }
0x7b: {  	s10 =	sshll.u32 s10, $0x4;
	[tilespmem:s0+$0x60] =	vst v1  }
0x7c: {  	s11 =	sadd.s32 s3, s10;
	[tilespmem:s0+$0x30] =	vst v3;
	s0 =	simm.s32 @!p0 $0x6  }
0x7d: {  	[hbm4b:s11+s4] =	stream.linear.scatter [tilespmem:s15], [sflag:$0x6], $0x6400, $0x38;
	[tilespmem:$0x1F400] =	vst v63  }
0x7e: {  	_ =	swait.ge @!p0 [sflag:s0], $0x6400  }
0x7f: {  	s10 =	simm.s32 @!p0 $0xC8;
	[sflag:s0] =	ssyncset.done @!p0 $0x0  }
0x80: {  	s11 =	simm.s32 @!p0 $0xC800;
	[sflag:s0] =	ssyncadd.s32 @!p0 $0xFFFF9C00;
	s0 =	sadd.s32 @!p0 $0x3E8, s2  }
0x81: {  	[tilespmem:s11], [sflag:$0x2] =	stream.indirect.gather @!p0 [hbm4b:s1+s10], $0x80, s0, s10, $0xb8;
	[tilespmem:$0x1F400] =	vst v63  }
0x82: {  	_ =	swait.ge [sflag:s21], $0x6400  }
0x83: {  	[sflag:s21] =	ssyncset.done $0x0  }
0x84: {  	s0 =	simm.s32 $0x12C00;
	[sflag:s21] =	ssyncadd.s32 $0xFFFF9C00  }
0x85: {  	v1 =	vld [tilespmem:s0+$0xA0]  }
0x86: {  	v2 =	vld [tilespmem:s0+$0x40]  }
0x87: {  	v3 =	vld [tilespmem:s0+$0xE0]  }
0x88: {  	v4 =	vld [tilespmem:s0+$0xD0]  }
0x89: {  	v5 =	vld [tilespmem:s0+$0x20]  }
0x8a: {  	v0 =	vld [tilespmem:s0+$0x90]  }
0x8b: {  	v8 =	vld [tilespmem:s0+$0xC0]  }
0x8c: {  	v7 =	vld [tilespmem:s0+$0x10]  }
0x8d: {  	v9 =	vld [tilespmem:s0+$0x0];
	v1 =	vmul.f32 $1.131370830e+01, v1  }
0x8e: {  	v11 =	vld [tilespmem:s0+$0x50];
	v4 =	vmul.f32 $1.131370830e+01, v4  }
0x8f: {  	v10 =	vld [tilespmem:s0+$0xB0];
	v12 =	vmul.f32 $1.131370830e+01, v5;
	[tilespmem:s0+$0xA0] =	vst v1  }
0x90: {  	v6 =	vld [tilespmem:s0+$0xF0];
	v13 =	vmul.f32 $1.131370830e+01, v8;
	[tilespmem:s0+$0xD0] =	vst v4  }
0x91: {  	v1 =	vmul.f32 $1.131370830e+01, v2;
	v2 =	vmul.f32 $1.131370830e+01, v3;
	v3 =	vld [tilespmem:s0+$0x80];
	[tilespmem:s0+$0x20] =	vst v12  }
0x92: {  	v4 =	vld [tilespmem:s0+$0x70];
	[tilespmem:s0+$0xC0] =	vst v13  }
0x93: {  	v8 =	vmul.f32 $1.131370830e+01, v9;
	v5 =	vld [tilespmem:s0+$0x60];
	v9 =	vmul.f32 $1.131370830e+01, v11;
	[tilespmem:s0+$0x40] =	vst v1  }
0x94: {  	s10 =	simm.s32 $0x0;
	s11 =	simm.s32 $0x12D00;
	[tilespmem:s0+$0xE0] =	vst v2;
	v1 =	vmul.f32 $1.131370830e+01, v7;
	v7 =	vld [tilespmem:s0+$0x30];
	v2 =	vmul.f32 $1.131370830e+01, v10  }
.LBB2_7:
0x95: {  	v10 =	vld [tilespmem:s11+$0xA0];
	s10 =	sadd.s32 $0x2, s10;
	[tilespmem:s0+$0x0] =	vst v8;
	v0 =	vmul.f32 $1.131370830e+01, v0;
	v6 =	vmul.f32 $1.131370830e+01, v6  }
0x96: {  	v8 =	vld [tilespmem:s11+$0x40];
	p1 =	slt.u32 s10, $0xC6;
	[tilespmem:s0+$0x50] =	vst v9;
	v3 =	vmul.f32 $1.131370830e+01, v3  }
0x97: {  	v9 =	vld [tilespmem:s11+$0xE0];
	v4 =	vmul.f32 $1.131370830e+01, v4;
	[tilespmem:s0+$0xF0] =	vst v6  }
0x98: {  	v11 =	vld [tilespmem:s11+$0x20];
	v5 =	vmul.f32 $1.131370830e+01, v5;
	[tilespmem:s0+$0x80] =	vst v3  }
0x99: {  	v3 =	vld [tilespmem:s11+$0xD0];
	v6 =	vmul.f32 $1.131370830e+01, v7;
	[tilespmem:s0+$0x90] =	vst v0  }
0x9a: {  	v0 =	vld [tilespmem:s11+$0x90];
	v7 =	vmul.f32 $1.131370830e+01, v10;
	[tilespmem:s0+$0x10] =	vst v1  }
0x9b: {  	v1 =	vld [tilespmem:s11+$0x10];
	[tilespmem:s0+$0x30] =	vst v6  }
0x9c: {  	v10 =	vld [tilespmem:s11+$0xC0];
	v9 =	vmul.f32 $1.131370830e+01, v9;
	[tilespmem:s0+$0xB0] =	vst v2  }
0x9d: {  	v2 =	vld [tilespmem:s11+$0x0];
	[tilespmem:s0+$0x70] =	vst v4  }
0x9e: {  	v12 =	vld [tilespmem:s11+$0xB0];
	v3 =	vmul.f32 $1.131370830e+01, v3;
	[tilespmem:s0+$0x60] =	vst v5;
	s0 =	smov.u32 s11  }
0x9f: {  	v13 =	vld [tilespmem:s11+$0x50];
	[tilespmem:s11+$0xA0] =	vst v7  }
.Ltmp2:
0xa0: {  	v4 =	vmul.f32 $1.131370830e+01, v8;
	[tilespmem:s11+$0xD0] =	vst v3;
	v6 =	vld [tilespmem:s11+$0xF0];
	(pc) =	sbr.rel @p1 .LBB2_7-.Ltmp2, $4  }
0xa1: {  	v3 =	vld [tilespmem:s11+$0x80];
	v7 =	vmul.f32 $1.131370830e+01, v10;
	[tilespmem:s11+$0xE0] =	vst v9  }
0xa2: {  	v9 =	vmul.f32 $1.131370830e+01, v11;
	[tilespmem:s11+$0x40] =	vst v4;
	v4 =	vld [tilespmem:s11+$0x70]  }
0xa3: {  	v1 =	vmul.f32 $1.131370830e+01, v1;
	v8 =	vmul.f32 $1.131370830e+01, v2;
	v5 =	vld [tilespmem:s11+$0x60];
	[tilespmem:s11+$0xC0] =	vst v7  }
0xa4: {  	v2 =	vmul.f32 $1.131370830e+01, v12;
	s11 =	sadd.s32 $0x100, s11;
	[tilespmem:s0+$0x20] =	vst v9;
	v7 =	vld [tilespmem:s0+$0x30];
	v9 =	vmul.f32 $1.131370830e+01, v13  }
0xa5: {  	[tilespmem:s0+$0x0] =	vst v8  }
0xa6: {  	[tilespmem:s0+$0x10] =	vst v1  }
0xa7: {  	v6 =	vmul.f32 $1.131370830e+01, v6;
	[tilespmem:s0+$0x50] =	vst v9  }
0xa8: {  	v0 =	vmul.f32 $1.131370830e+01, v0;
	[tilespmem:s0+$0xB0] =	vst v2  }
0xa9: {  	v3 =	vmul.f32 $1.131370830e+01, v3;
	[tilespmem:s0+$0xF0] =	vst v6  }
0xaa: {  	[tilespmem:s0+$0x90] =	vst v0;
	v0 =	vmul.f32 $1.131370830e+01, v4  }
0xab: {  	[tilespmem:s0+$0x80] =	vst v3;
	v1 =	vmul.f32 $1.131370830e+01, v5  }
0xac: {  	s10 =	sadd.s32 s31, s8;
	v3 =	vmul.f32 $1.131370830e+01, v7;
	[tilespmem:s0+$0x70] =	vst v0  }
0xad: {  	s10 =	sshll.u32 s10, $0x4;
	[tilespmem:s0+$0x60] =	vst v1  }
0xae: {  	s31 =	sadd.s32 s3, s10;
	[tilespmem:s0+$0x30] =	vst v3;
	s0 =	simm.s32 @!p0 $0x7  }
0xaf: {  	[hbm4b:s31+s4] =	stream.linear.scatter [tilespmem:s17], [sflag:$0x7], $0x6400, $0x38;
	[tilespmem:$0x1F400] =	vst v63  }
0xb0: {  	_ =	swait.ge @!p0 [sflag:s0], $0x6400  }
0xb1: {  	s10 =	simm.s32 @!p0 $0x12C00;
	[sflag:s0] =	ssyncset.done @!p0 $0x0  }
0xb2: {  	[sflag:s0] =	ssyncadd.s32 @!p0 $0xFFFF9C00;
	s0 =	sadd.s32 @!p0 $0x4B0, s2;
	s2 =	simm.s32 @!p0 $0xC8  }
0xb3: {  	[tilespmem:s10], [sflag:$0x3] =	stream.indirect.gather @!p0 [hbm4b:s1+s2], $0x80, s0, s2, $0xb8;
	[tilespmem:$0x1F400] =	vst v63  }
0xb4: {  	_ =	swait.ge [sflag:s22], $0x6400  }
0xb5: {  	[sflag:s22] =	ssyncset.done $0x0  }
0xb6: {  	s2 =	simm.s32 $0x19000;
	[sflag:s22] =	ssyncadd.s32 $0xFFFF9C00  }
0xb7: {  	v1 =	vld [tilespmem:s2+$0xA0]  }
0xb8: {  	v2 =	vld [tilespmem:s2+$0x40]  }
0xb9: {  	v3 =	vld [tilespmem:s2+$0xE0]  }
0xba: {  	v4 =	vld [tilespmem:s2+$0xD0]  }
0xbb: {  	v5 =	vld [tilespmem:s2+$0x20]  }
0xbc: {  	v0 =	vld [tilespmem:s2+$0x90]  }
0xbd: {  	v8 =	vld [tilespmem:s2+$0xC0]  }
0xbe: {  	v7 =	vld [tilespmem:s2+$0x10]  }
0xbf: {  	v9 =	vld [tilespmem:s2+$0x0];
	v1 =	vmul.f32 $1.131370830e+01, v1  }
0xc0: {  	v11 =	vld [tilespmem:s2+$0x50];
	v4 =	vmul.f32 $1.131370830e+01, v4  }
0xc1: {  	v10 =	vld [tilespmem:s2+$0xB0];
	v12 =	vmul.f32 $1.131370830e+01, v5;
	[tilespmem:s2+$0xA0] =	vst v1  }
0xc2: {  	v6 =	vld [tilespmem:s2+$0xF0];
	v13 =	vmul.f32 $1.131370830e+01, v8;
	[tilespmem:s2+$0xD0] =	vst v4  }
0xc3: {  	v1 =	vmul.f32 $1.131370830e+01, v2;
	v2 =	vmul.f32 $1.131370830e+01, v3;
	v3 =	vld [tilespmem:s2+$0x80];
	[tilespmem:s2+$0x20] =	vst v12  }
0xc4: {  	v4 =	vld [tilespmem:s2+$0x70];
	[tilespmem:s2+$0xC0] =	vst v13  }
0xc5: {  	v8 =	vmul.f32 $1.131370830e+01, v9;
	v5 =	vld [tilespmem:s2+$0x60];
	v9 =	vmul.f32 $1.131370830e+01, v11;
	[tilespmem:s2+$0x40] =	vst v1  }
0xc6: {  	s0 =	simm.s32 $0x0;
	s10 =	simm.s32 $0x19100;
	[tilespmem:s2+$0xE0] =	vst v2;
	v1 =	vmul.f32 $1.131370830e+01, v7;
	v7 =	vld [tilespmem:s2+$0x30];
	v2 =	vmul.f32 $1.131370830e+01, v10  }
.LBB2_9:
0xc7: {  	v10 =	vld [tilespmem:s10+$0xA0];
	s0 =	sadd.s32 $0x2, s0;
	[tilespmem:s2+$0x0] =	vst v8;
	v0 =	vmul.f32 $1.131370830e+01, v0;
	v6 =	vmul.f32 $1.131370830e+01, v6  }
0xc8: {  	v8 =	vld [tilespmem:s10+$0x40];
	p0 =	slt.u32 s0, $0xC6;
	[tilespmem:s2+$0x50] =	vst v9;
	v3 =	vmul.f32 $1.131370830e+01, v3  }
0xc9: {  	v9 =	vld [tilespmem:s10+$0xE0];
	v4 =	vmul.f32 $1.131370830e+01, v4;
	[tilespmem:s2+$0xF0] =	vst v6  }
0xca: {  	v11 =	vld [tilespmem:s10+$0x20];
	v5 =	vmul.f32 $1.131370830e+01, v5;
	[tilespmem:s2+$0x80] =	vst v3  }
0xcb: {  	v3 =	vld [tilespmem:s10+$0xD0];
	v6 =	vmul.f32 $1.131370830e+01, v7;
	[tilespmem:s2+$0x90] =	vst v0  }
0xcc: {  	v0 =	vld [tilespmem:s10+$0x90];
	v7 =	vmul.f32 $1.131370830e+01, v10;
	[tilespmem:s2+$0x10] =	vst v1  }
0xcd: {  	v1 =	vld [tilespmem:s10+$0x10];
	[tilespmem:s2+$0x30] =	vst v6  }
0xce: {  	v10 =	vld [tilespmem:s10+$0xC0];
	v9 =	vmul.f32 $1.131370830e+01, v9;
	[tilespmem:s2+$0xB0] =	vst v2  }
0xcf: {  	v2 =	vld [tilespmem:s10+$0x0];
	[tilespmem:s2+$0x70] =	vst v4  }
0xd0: {  	v12 =	vld [tilespmem:s10+$0xB0];
	v3 =	vmul.f32 $1.131370830e+01, v3;
	[tilespmem:s2+$0x60] =	vst v5;
	s2 =	smov.u32 s10  }
0xd1: {  	v13 =	vld [tilespmem:s10+$0x50];
	[tilespmem:s10+$0xA0] =	vst v7  }
.Ltmp3:
0xd2: {  	v4 =	vmul.f32 $1.131370830e+01, v8;
	[tilespmem:s10+$0xD0] =	vst v3;
	v6 =	vld [tilespmem:s10+$0xF0];
	(pc) =	sbr.rel @p0 .LBB2_9-.Ltmp3, $4  }
0xd3: {  	v3 =	vld [tilespmem:s10+$0x80];
	v7 =	vmul.f32 $1.131370830e+01, v10;
	[tilespmem:s10+$0xE0] =	vst v9  }
0xd4: {  	v9 =	vmul.f32 $1.131370830e+01, v11;
	[tilespmem:s10+$0x40] =	vst v4;
	v4 =	vld [tilespmem:s10+$0x70]  }
0xd5: {  	v1 =	vmul.f32 $1.131370830e+01, v1;
	v8 =	vmul.f32 $1.131370830e+01, v2;
	v5 =	vld [tilespmem:s10+$0x60];
	[tilespmem:s10+$0xC0] =	vst v7  }
0xd6: {  	v2 =	vmul.f32 $1.131370830e+01, v12;
	s10 =	sadd.s32 $0x100, s10;
	[tilespmem:s2+$0x20] =	vst v9;
	v7 =	vld [tilespmem:s2+$0x30];
	v9 =	vmul.f32 $1.131370830e+01, v13  }
0xd7: {  	[tilespmem:s2+$0x0] =	vst v8  }
0xd8: {  	[tilespmem:s2+$0x10] =	vst v1  }
0xd9: {  	v6 =	vmul.f32 $1.131370830e+01, v6;
	[tilespmem:s2+$0x50] =	vst v9  }
0xda: {  	v0 =	vmul.f32 $1.131370830e+01, v0;
	[tilespmem:s2+$0xB0] =	vst v2  }
0xdb: {  	s29 =	sadd.s32 $0x1, s29;
	v3 =	vmul.f32 $1.131370830e+01, v3;
	[tilespmem:s2+$0xF0] =	vst v6  }
0xdc: {  	s0 =	smul.u32 $0xC8, s30;
	p0 =	sne.s32 s29, $0x20;
	[tilespmem:s2+$0x90] =	vst v0;
	v62 =	vmul.f32 $1.131370830e+01, v4  }
.Ltmp4:
0xdd: {  	[tilespmem:s2+$0x80] =	vst v3;
	v63 =	vmul.f32 $1.131370830e+01, v5;
	(pc) =	sbr.rel @p0 .LBB2_2-.Ltmp4, $4  }
0xde: {  	s0 =	sadd.s32 s5, s0;
	v61 =	vmul.f32 $1.131370830e+01, v7;
	[tilespmem:s2+$0x70] =	vst v62  }
0xdf: {  	s0 =	sshll.u32 s0, $0x4;
	[tilespmem:s2+$0x60] =	vst v63  }
0xe0: {  	s0 =	sadd.s32 s3, s0;
	[tilespmem:s2+$0x30] =	vst v61  }
0xe1: {  	[hbm4b:s0+s4] =	stream.linear.scatter [tilespmem:s18], [sflag:$0x8], $0x6400, $0x38;
	[tilespmem:$0x1F400] =	vst v63  }
0xe2: {  	_ =	swait.ge [sflag:s23], $0x6400  }
0xe3: {  	[sflag:s23] =	ssyncset.done $0x0  }
0xe4: {  	[sflag:s23] =	ssyncadd.s32 $0xFFFF9C00  }
0xe5: {  	_ =	swait.ge [sflag:s24], $0x6400  }
0xe6: {  	[sflag:s24] =	ssyncset.done $0x0  }
0xe7: {  	s28 =	sadd.s32 $0x1, s28;
	[sflag:s24] =	ssyncadd.s32 $0xFFFF9C00  }
0xe8: {  	p0 =	sne.s32 s28, s9;
	_ =	swait.ge [sflag:s25], $0x6400  }
.Ltmp5:
0xe9: {  	[sflag:s25] =	ssyncset.done $0x0;
	(pc) =	sbr.rel @p0 .LBB2_1-.Ltmp5, $4  }
0xea: {  	[sflag:s25] =	ssyncadd.s32 $0xFFFF9C00  }
0xeb: {  	_ =	swait.ge [sflag:s26], $0x6400  }
0xec: {  	[sflag:s26] =	ssyncset.done $0x0  }
0xed: {  	[sflag:s26] =	ssyncadd.s32 $0xFFFF9C00  }
0xee: {  	_ =	sfence.sel $0x180000  }
0xef: {  	[bflag:$0x0] =	sbarrier.arrive $0xFFFF  }
0xf0: {  	_ =	strace $0x90000047  }
0xf1: {  	s0 =	stileid.u32;
	[bflag:$0x2] =	sbarrier.arrive $0xFFFF  }
0xf2: {  	p0 =	sne.s32 s0, $0x0;
	s0 =	rddreg [dreg:$0x3]  }
0xf3: {  	s0 =	sadd.s32 @!p0 $0x100000, s0  }
0xf4: {  	[sflag:s0] =	ssyncadd.tile.s32 @!p0 $0x1;
	_ =	shalt  }
.Lfunc_end2:
_tile_overlayer_lowered:
.L_overlay_start_2:
0xf5: {  	(tag) =	ssettag $0x2  }
0xf6: {  	s0 =	rddreg [dreg:$0x0];
	s2 =	stileid.u32  }
0xf7: {  	s1 =	rddreg [dreg:$0x1];
	p0 =	sne.s32 s2, $0x0  }
0xf8: {  	s3 =	rddreg [dreg:$0x2];
	[bflag:$0x3] =	sbarrier.arrive $0xFFFF;
	s2 =	simm.s32 @!p0 $0x1C09  }
0xf9: {  	[timem:s3], [sflag:s2] =	dma.local @!p0 [hbm:s0], s1  }
0xfa: {  	s0 =	simm.s32 @!p0 $0x9  }
0xfb: {  	_ =	swait.ge @!p0 [sflag:s0], s1  }
0xfc: {  	s1 =	ssub.s32 @!p0 $0x0, s1;
	[sflag:s0] =	ssyncset.done @!p0 $0x0  }
0xfd: {  	[sflag:s0] =	ssyncadd.s32 @!p0 s1  }
0xfe: {  	[bflag:$0x3] =	sbarrier.arrive $0xFFFF  }
0xff: {  	_ =	shalt  }

</sc_bundles>
